<compile_context>
chip_gen: v7x
topology: tpu7x:2x2x1
jax: 0.10.2.dev20260603
libtpu: 0.0.44.dev20260713+nightly
codegen_flags: <defaults>
</compile_context>

<pallas_src>
import functools

import jax
import jax.numpy as jnp
from jax import lax
from jax.experimental import pallas as pl
from jax.experimental.pallas import tpu as pltpu
from jax.experimental.pallas import tpu_sc as plsc

SLOT_DIM = 142
NUM_ARCHETYPES = 19
HIDDEN_DIM = 256
CODE_DIM = 64
NUM_CODES = 512
COMMIT_COST = 0.25
B = 16384
BB = 4096

_SC_CORES = 2
_SC_SUBCORES = 16
_NW = _SC_CORES * _SC_SUBCORES
_BPW = B // _NW
_CH = 128
_NCH = _BPW // _CH


def _dot(a, b):
    return jax.lax.dot_general(a, b, (((1,), (0,)), ((), ())),
                               preferred_element_type=jnp.float32)


def _enc_body(x_ref, a_ref, w1_ref, b1_ref, w2_ref, b2_ref,
              w3_ref, b3_ref, cbm2_ref, cbn_ref,
              ze_ref, idx_ref):
    x = x_ref[...]
    a = a_ref[...]
    xa = jnp.concatenate([x, a], axis=1)
    h = jnp.maximum(_dot(xa, w1_ref[...]) + b1_ref[...], 0.0)
    h = jnp.maximum(_dot(h, w2_ref[...]) + b2_ref[...], 0.0)
    z_e = _dot(h, w3_ref[...]) + b3_ref[...]
    ze_ref[...] = z_e

    dist = jax.lax.dot_general(z_e, cbm2_ref[...], (((1,), (1,)), ((), ())),
                               preferred_element_type=jnp.float32) + cbn_ref[...]
    dmin = jnp.min(dist, axis=1, keepdims=True)
    iota = jax.lax.broadcasted_iota(jnp.int32, dist.shape, 1)
    idx = jnp.min(jnp.where(dist == dmin, iota, NUM_CODES), axis=1)
    idx_ref[...] = idx[:, None]


def _dec_body(ze_ref, zq_ref, a_ref, wd1_ref, bd1_ref, wd2_ref,
              bd2_ref, wd3_ref, bd3_ref,
              recon_ref, loss_ref):
    z_e = ze_ref[...]
    z_q = zq_ref[...]
    a = a_ref[...]

    diff = z_e - z_q
    loss_ref[...] = jnp.reshape(jnp.sum(diff * diff), (1, 1, 1))

    def _dot_bf16(p, q):
        return jax.lax.dot_general(p.astype(jnp.bfloat16), q.astype(jnp.bfloat16),
                                   (((1,), (0,)), ((), ())),
                                   preferred_element_type=jnp.float32)

    za = jnp.concatenate([z_q, a], axis=1)
    h2 = jnp.maximum(_dot_bf16(za, wd1_ref[...]) + bd1_ref[...], 0.0)
    h2 = jnp.maximum(_dot_bf16(h2, wd2_ref[...]) + bd2_ref[...], 0.0)
    recon_ref[...] = _dot(h2, wd3_ref[...]) + bd3_ref[...]


def _sc_gather(table_hbm, idx_hbm, out_hbm, idx_v, rows_v, sem):
    wid = lax.axis_index("s") * _SC_CORES + lax.axis_index("c")
    base = wid * _BPW
    for j in range(_NCH):
        pltpu.sync_copy(idx_hbm.at[pl.ds(base + j * _CH, _CH)], idx_v.at[j])
    copies = [pltpu.async_copy(table_hbm.at[idx_v.at[j]], rows_v.at[j], sem)
              for j in range(_NCH)]
    for c in copies:
        c.wait()
    for j in range(_NCH):
        pltpu.sync_copy(rows_v.at[j], out_hbm.at[pl.ds(base + j * _CH, _CH)])


def kernel(x, archetype_onehot, W1, b1, W2, b2, W3, b3,
           Wd1, bd1, Wd2, bd2, Wd3, bd3, codebook):
    b1r = b1[None, :]
    b2r = b2[None, :]
    b3r = b3[None, :]
    bd1r = bd1[None, :]
    bd2r = bd2[None, :]
    bd3r = bd3[None, :]
    cbn = jnp.sum(codebook ** 2, axis=1)[None, :]
    cbm2 = -2.0 * codebook

    grid = (B // BB,)
    row = lambda i: (i, 0)
    rep = lambda i: (0, 0)

    def wspec(arr):
        return pl.BlockSpec(arr.shape, rep)

    z_e, idx2d = pl.pallas_call(
        _enc_body,
        grid=grid,
        in_specs=[
            pl.BlockSpec((BB, SLOT_DIM), row),
            pl.BlockSpec((BB, NUM_ARCHETYPES), row),
            wspec(W1), wspec(b1r),
            wspec(W2), wspec(b2r),
            wspec(W3), wspec(b3r),
            wspec(cbm2), wspec(cbn),
        ],
        out_specs=[
            pl.BlockSpec((BB, CODE_DIM), row),
            pl.BlockSpec((BB, 1), row),
        ],
        out_shape=[
            jax.ShapeDtypeStruct((B, CODE_DIM), jnp.float32),
            jax.ShapeDtypeStruct((B, 1), jnp.int32),
        ],
        compiler_params=pltpu.CompilerParams(
            dimension_semantics=("parallel",),
        ),
    )(x, archetype_onehot, W1, b1r, W2, b2r, W3, b3r, cbm2, cbn)

    indices = idx2d[:, 0]

    sc_mesh = plsc.VectorSubcoreMesh(core_axis_name="c", subcore_axis_name="s")
    z_q = pl.kernel(
        _sc_gather,
        mesh=sc_mesh,
        out_type=jax.ShapeDtypeStruct((B, CODE_DIM), jnp.float32),
        scratch_types=[
            pltpu.VMEM((_NCH, _CH), jnp.int32),
            pltpu.VMEM((_NCH, _CH, CODE_DIM), jnp.float32),
            pltpu.SemaphoreType.DMA,
        ],
        compiler_params=pltpu.CompilerParams(use_tc_tiling_on_sc=False),
    )(codebook, indices)

    recon, loss = pl.pallas_call(
        _dec_body,
        grid=grid,
        in_specs=[
            pl.BlockSpec((BB, CODE_DIM), row),
            pl.BlockSpec((BB, CODE_DIM), row),
            pl.BlockSpec((BB, NUM_ARCHETYPES), row),
            wspec(Wd1), wspec(bd1r),
            wspec(Wd2), wspec(bd2r),
            wspec(Wd3), wspec(bd3r),
        ],
        out_specs=[
            pl.BlockSpec((BB, SLOT_DIM), row),
            pl.BlockSpec((1, 1, 1), lambda i: (i, 0, 0)),
        ],
        out_shape=[
            jax.ShapeDtypeStruct((B, SLOT_DIM), jnp.float32),
            jax.ShapeDtypeStruct((B // BB, 1, 1), jnp.float32),
        ],
        compiler_params=pltpu.CompilerParams(
            dimension_semantics=("parallel",),
        ),
    )(z_e, z_q, archetype_onehot, Wd1, bd1r, Wd2, bd2r, Wd3, bd3r)

    vq_loss = (COMMIT_COST / (B * CODE_DIM)) * jnp.sum(loss)
    return (recon, indices, vq_loss)

# --- scband reference (transcript-rebuilt; emitter-appended) ---
"""Pipeline reference for scband-ability-vqvae-34187939676278 (READ-ONLY COPY).

The authoritative reference and input builder live on the scoring server;
editing this copy changes nothing except your own understanding.
"""

import jax, jax.numpy as jnp
import numpy as np

SLOT_DIM = 142
NUM_ARCHETYPES = 19
HIDDEN_DIM = 256
CODE_DIM = 64
NUM_CODES = 512
COMMIT_COST = 0.25
B = 16384


def setup_inputs(seed: int = 0) -> dict:
    key = jax.random.key(seed)
    ks = jax.random.split(key, 16)
    x = jax.random.normal(ks[0], (B, SLOT_DIM), dtype=jnp.float32)
    arch_idx = jax.random.randint(ks[1], (B,), 0, NUM_ARCHETYPES)
    archetype_onehot = jax.nn.one_hot(arch_idx, NUM_ARCHETYPES, dtype=jnp.float32)

    def lin(k, fan_in, fan_out):
        return jax.random.normal(k, (fan_in, fan_out), dtype=jnp.float32) * (1.0 / np.sqrt(fan_in))

    W1 = lin(ks[2], SLOT_DIM + NUM_ARCHETYPES, HIDDEN_DIM)
    b1 = jnp.zeros((HIDDEN_DIM,), dtype=jnp.float32)
    W2 = lin(ks[3], HIDDEN_DIM, HIDDEN_DIM)
    b2 = jnp.zeros((HIDDEN_DIM,), dtype=jnp.float32)
    W3 = lin(ks[4], HIDDEN_DIM, CODE_DIM)
    b3 = jnp.zeros((CODE_DIM,), dtype=jnp.float32)
    Wd1 = lin(ks[5], CODE_DIM + NUM_ARCHETYPES, HIDDEN_DIM)
    bd1 = jnp.zeros((HIDDEN_DIM,), dtype=jnp.float32)
    Wd2 = lin(ks[6], HIDDEN_DIM, HIDDEN_DIM)
    bd2 = jnp.zeros((HIDDEN_DIM,), dtype=jnp.float32)
    Wd3 = lin(ks[7], HIDDEN_DIM, SLOT_DIM)
    bd3 = jnp.zeros((SLOT_DIM,), dtype=jnp.float32)
    codebook = jax.random.normal(ks[8], (NUM_CODES, CODE_DIM), dtype=jnp.float32)
    return {
        'x': x, 'archetype_onehot': archetype_onehot,
        'W1': W1, 'b1': b1, 'W2': W2, 'b2': b2, 'W3': W3, 'b3': b3,
        'Wd1': Wd1, 'bd1': bd1, 'Wd2': Wd2, 'bd2': bd2, 'Wd3': Wd3, 'bd3': bd3,
        'codebook': codebook,
    }


def reference(x, archetype_onehot, W1, b1, W2, b2, W3, b3, Wd1, bd1, Wd2, bd2, Wd3, bd3, codebook):
    # Encoder
    h = jnp.concatenate([x, archetype_onehot], axis=-1)
    h = jax.nn.relu(h @ W1 + b1)
    h = jax.nn.relu(h @ W2 + b2)
    z_e = h @ W3 + b3
    # Vector quantization (eval mode: no EMA buffer updates)
    distances = (jnp.sum(z_e ** 2, axis=1, keepdims=True)
                 - 2.0 * z_e @ codebook.T
                 + jnp.sum(codebook ** 2, axis=1)[None, :])
    indices = jnp.argmin(distances, axis=1)
    z_q = jnp.take(codebook, indices, axis=0)
    commitment_loss = jnp.mean((z_e - jax.lax.stop_gradient(z_q)) ** 2)
    vq_loss = COMMIT_COST * commitment_loss
    z_q_st = z_e + jax.lax.stop_gradient(z_q - z_e)
    # Decoder
    h2 = jnp.concatenate([z_q_st, archetype_onehot], axis=-1)
    h2 = jax.nn.relu(h2 @ Wd1 + bd1)
    h2 = jax.nn.relu(h2 @ Wd2 + bd2)
    recon = h2 @ Wd3 + bd3
    return (recon, indices, vq_loss)

if __name__ == "__main__":
    import jax
    _d = setup_inputs()
    print(jax.jit(kernel)(*tuple(_d.values())))

</pallas_src>

<mosaic_0001>
#map = affine_map<(d0, d1) -> (0, 0)>
#map1 = affine_map<(d0, d1) -> (0)>
module attributes {stable_mosaic.version = 14 : i64} {
  func.func @_sc_gather(%arg0: i32, %arg1: i32, %arg2: memref<512x64xf32, #tpu.memory_space<hbm>>, %arg3: memref<16384xi32, #tpu.memory_space<hbm>>, %arg4: memref<16384x64xf32, #tpu.memory_space<hbm>>, %arg5: memref<4x128xi32, #tpu.memory_space<vmem>>, %arg6: memref<4x128x64xf32, #tpu.memory_space<vmem>>, %arg7: memref<!tpu.dma_semaphore, #tpu.memory_space<semaphore_mem>>) attributes {dimension_semantics = [#tpu.dimension_semantics<core_parallel>, #tpu.dimension_semantics<subcore_parallel>], iteration_bounds = array<i64: 2, 16>, scalar_prefetch = 0 : i64, scratch_operands = 3 : i64, tpu.core_type = #tpu.core_type<sc_vector_subcore>, window_params = [{transform_indices = #map}, {transform_indices = #map1}, {transform_indices = #map}]} {
    %mul3A = arith.constant 2 : i32
    %mul3A_0 = arith.muli %arg1, %mul3A : i32
    %add3A = arith.addi %mul3A_0, %arg0 : i32
    %mul3A_1 = arith.constant 512 : i32
    %mul3A_2 = arith.muli %add3A, %mul3A_1 : i32
    %add3A_3 = arith.constant 0 : i32
    %add3A_4 = arith.addi %mul3A_2, %add3A_3 : i32
    %run_scoped3A = arith.constant 0 : i32
    "tpu.region"() ({
      %run_scoped3A_120 = tpu.sem_alloc : memref<!tpu.dma_semaphore, #tpu.memory_space<semaphore_mem>>
      %dma_start3A_121 = arith.constant 0 : i32
      %dma_start3A_122 = tpu.memref_slice %arg5[%run_scoped3A, %dma_start3A_121] : memref<4x128xi32, #tpu.memory_space<vmem>> -> memref<1x128xi32, #tpu.memory_space<vmem>>
      %dma_start3A_123 = tpu.memref_squeeze %dma_start3A_122 : memref<1x128xi32, #tpu.memory_space<vmem>> -> memref<128xi32, #tpu.memory_space<vmem>>
      %dma_start3A_124 = tpu.memref_slice %arg3[%add3A_4] : memref<16384xi32, #tpu.memory_space<hbm>> -> memref<128xi32, #tpu.memory_space<hbm>>
      %dma_start3A_125 = arith.constant 0 : i32
      %dma_start3A_126 = tpu.memref_slice %arg5[%run_scoped3A, %dma_start3A_125] : memref<4x128xi32, #tpu.memory_space<vmem>> -> memref<1x128xi32, #tpu.memory_space<vmem>>
      %dma_start3A_127 = tpu.memref_squeeze %dma_start3A_126 : memref<1x128xi32, #tpu.memory_space<vmem>> -> memref<128xi32, #tpu.memory_space<vmem>>
      %dma_start3A_128 = tpu.memref_slice %arg3[%add3A_4] : memref<16384xi32, #tpu.memory_space<hbm>> -> memref<128xi32, #tpu.memory_space<hbm>>
      tpu.enqueue_dma source(%dma_start3A_128 : memref<128xi32, #tpu.memory_space<hbm>>) target(%dma_start3A_127 : memref<128xi32, #tpu.memory_space<vmem>>) target_semaphore(%run_scoped3A_120 : memref<!tpu.dma_semaphore, #tpu.memory_space<semaphore_mem>>)
      %dma_wait3A_129 = arith.constant 0 : i32
      %dma_wait3A_130 = tpu.memref_slice %arg5[%run_scoped3A, %dma_wait3A_129] : memref<4x128xi32, #tpu.memory_space<vmem>> -> memref<1x128xi32, #tpu.memory_space<vmem>>
      %dma_wait3A_131 = tpu.memref_squeeze %dma_wait3A_130 : memref<1x128xi32, #tpu.memory_space<vmem>> -> memref<128xi32, #tpu.memory_space<vmem>>
      %dma_wait3A_132 = tpu.memref_slice %arg3[%add3A_4] : memref<16384xi32, #tpu.memory_space<hbm>> -> memref<128xi32, #tpu.memory_space<hbm>>
      %dma_wait3A_133 = arith.constant 0 : i32
      %dma_wait3A_134 = tpu.memref_slice %arg5[%run_scoped3A, %dma_wait3A_133] : memref<4x128xi32, #tpu.memory_space<vmem>> -> memref<1x128xi32, #tpu.memory_space<vmem>>
      %dma_wait3A_135 = tpu.memref_squeeze %dma_wait3A_134 : memref<1x128xi32, #tpu.memory_space<vmem>> -> memref<128xi32, #tpu.memory_space<vmem>>
      %dma_wait3A_136 = tpu.memref_slice %arg3[%add3A_4] : memref<16384xi32, #tpu.memory_space<hbm>> -> memref<128xi32, #tpu.memory_space<hbm>>
      tpu.wait_dma2 semaphore(%run_scoped3A_120 : memref<!tpu.dma_semaphore, #tpu.memory_space<semaphore_mem>>) src(%dma_wait3A_136 : memref<128xi32, #tpu.memory_space<hbm>>) dst(%dma_wait3A_135 : memref<128xi32, #tpu.memory_space<vmem>>)
      tpu.yield
    }) : () -> ()
    %add3A_5 = arith.constant 128 : i32
    %add3A_6 = arith.addi %mul3A_2, %add3A_5 : i32
    %run_scoped3A_7 = arith.constant 1 : i32
    "tpu.region"() ({
      %run_scoped3A_120 = tpu.sem_alloc : memref<!tpu.dma_semaphore, #tpu.memory_space<semaphore_mem>>
      %dma_start3A_121 = arith.constant 0 : i32
      %dma_start3A_122 = tpu.memref_slice %arg5[%run_scoped3A_7, %dma_start3A_121] : memref<4x128xi32, #tpu.memory_space<vmem>> -> memref<1x128xi32, #tpu.memory_space<vmem>>
      %dma_start3A_123 = tpu.memref_squeeze %dma_start3A_122 : memref<1x128xi32, #tpu.memory_space<vmem>> -> memref<128xi32, #tpu.memory_space<vmem>>
      %dma_start3A_124 = tpu.memref_slice %arg3[%add3A_6] : memref<16384xi32, #tpu.memory_space<hbm>> -> memref<128xi32, #tpu.memory_space<hbm>>
      %dma_start3A_125 = arith.constant 0 : i32
      %dma_start3A_126 = tpu.memref_slice %arg5[%run_scoped3A_7, %dma_start3A_125] : memref<4x128xi32, #tpu.memory_space<vmem>> -> memref<1x128xi32, #tpu.memory_space<vmem>>
      %dma_start3A_127 = tpu.memref_squeeze %dma_start3A_126 : memref<1x128xi32, #tpu.memory_space<vmem>> -> memref<128xi32, #tpu.memory_space<vmem>>
      %dma_start3A_128 = tpu.memref_slice %arg3[%add3A_6] : memref<16384xi32, #tpu.memory_space<hbm>> -> memref<128xi32, #tpu.memory_space<hbm>>
      tpu.enqueue_dma source(%dma_start3A_128 : memref<128xi32, #tpu.memory_space<hbm>>) target(%dma_start3A_127 : memref<128xi32, #tpu.memory_space<vmem>>) target_semaphore(%run_scoped3A_120 : memref<!tpu.dma_semaphore, #tpu.memory_space<semaphore_mem>>)
      %dma_wait3A_129 = arith.constant 0 : i32
      %dma_wait3A_130 = tpu.memref_slice %arg5[%run_scoped3A_7, %dma_wait3A_129] : memref<4x128xi32, #tpu.memory_space<vmem>> -> memref<1x128xi32, #tpu.memory_space<vmem>>
      %dma_wait3A_131 = tpu.memref_squeeze %dma_wait3A_130 : memref<1x128xi32, #tpu.memory_space<vmem>> -> memref<128xi32, #tpu.memory_space<vmem>>
      %dma_wait3A_132 = tpu.memref_slice %arg3[%add3A_6] : memref<16384xi32, #tpu.memory_space<hbm>> -> memref<128xi32, #tpu.memory_space<hbm>>
      %dma_wait3A_133 = arith.constant 0 : i32
      %dma_wait3A_134 = tpu.memref_slice %arg5[%run_scoped3A_7, %dma_wait3A_133] : memref<4x128xi32, #tpu.memory_space<vmem>> -> memref<1x128xi32, #tpu.memory_space<vmem>>
      %dma_wait3A_135 = tpu.memref_squeeze %dma_wait3A_134 : memref<1x128xi32, #tpu.memory_space<vmem>> -> memref<128xi32, #tpu.memory_space<vmem>>
      %dma_wait3A_136 = tpu.memref_slice %arg3[%add3A_6] : memref<16384xi32, #tpu.memory_space<hbm>> -> memref<128xi32, #tpu.memory_space<hbm>>
      tpu.wait_dma2 semaphore(%run_scoped3A_120 : memref<!tpu.dma_semaphore, #tpu.memory_space<semaphore_mem>>) src(%dma_wait3A_136 : memref<128xi32, #tpu.memory_space<hbm>>) dst(%dma_wait3A_135 : memref<128xi32, #tpu.memory_space<vmem>>)
      tpu.yield
    }) : () -> ()
    %add3A_8 = arith.constant 256 : i32
    %add3A_9 = arith.addi %mul3A_2, %add3A_8 : i32
    %run_scoped3A_10 = arith.constant 2 : i32
    "tpu.region"() ({
      %run_scoped3A_120 = tpu.sem_alloc : memref<!tpu.dma_semaphore, #tpu.memory_space<semaphore_mem>>
      %dma_start3A_121 = arith.constant 0 : i32
      %dma_start3A_122 = tpu.memref_slice %arg5[%run_scoped3A_10, %dma_start3A_121] : memref<4x128xi32, #tpu.memory_space<vmem>> -> memref<1x128xi32, #tpu.memory_space<vmem>>
      %dma_start3A_123 = tpu.memref_squeeze %dma_start3A_122 : memref<1x128xi32, #tpu.memory_space<vmem>> -> memref<128xi32, #tpu.memory_space<vmem>>
      %dma_start3A_124 = tpu.memref_slice %arg3[%add3A_9] : memref<16384xi32, #tpu.memory_space<hbm>> -> memref<128xi32, #tpu.memory_space<hbm>>
      %dma_start3A_125 = arith.constant 0 : i32
      %dma_start3A_126 = tpu.memref_slice %arg5[%run_scoped3A_10, %dma_start3A_125] : memref<4x128xi32, #tpu.memory_space<vmem>> -> memref<1x128xi32, #tpu.memory_space<vmem>>
      %dma_start3A_127 = tpu.memref_squeeze %dma_start3A_126 : memref<1x128xi32, #tpu.memory_space<vmem>> -> memref<128xi32, #tpu.memory_space<vmem>>
      %dma_start3A_128 = tpu.memref_slice %arg3[%add3A_9] : memref<16384xi32, #tpu.memory_space<hbm>> -> memref<128xi32, #tpu.memory_space<hbm>>
      tpu.enqueue_dma source(%dma_start3A_128 : memref<128xi32, #tpu.memory_space<hbm>>) target(%dma_start3A_127 : memref<128xi32, #tpu.memory_space<vmem>>) target_semaphore(%run_scoped3A_120 : memref<!tpu.dma_semaphore, #tpu.memory_space<semaphore_mem>>)
      %dma_wait3A_129 = arith.constant 0 : i32
      %dma_wait3A_130 = tpu.memref_slice %arg5[%run_scoped3A_10, %dma_wait3A_129] : memref<4x128xi32, #tpu.memory_space<vmem>> -> memref<1x128xi32, #tpu.memory_space<vmem>>
      %dma_wait3A_131 = tpu.memref_squeeze %dma_wait3A_130 : memref<1x128xi32, #tpu.memory_space<vmem>> -> memref<128xi32, #tpu.memory_space<vmem>>
      %dma_wait3A_132 = tpu.memref_slice %arg3[%add3A_9] : memref<16384xi32, #tpu.memory_space<hbm>> -> memref<128xi32, #tpu.memory_space<hbm>>
      %dma_wait3A_133 = arith.constant 0 : i32
      %dma_wait3A_134 = tpu.memref_slice %arg5[%run_scoped3A_10, %dma_wait3A_133] : memref<4x128xi32, #tpu.memory_space<vmem>> -> memref<1x128xi32, #tpu.memory_space<vmem>>
      %dma_wait3A_135 = tpu.memref_squeeze %dma_wait3A_134 : memref<1x128xi32, #tpu.memory_space<vmem>> -> memref<128xi32, #tpu.memory_space<vmem>>
      %dma_wait3A_136 = tpu.memref_slice %arg3[%add3A_9] : memref<16384xi32, #tpu.memory_space<hbm>> -> memref<128xi32, #tpu.memory_space<hbm>>
      tpu.wait_dma2 semaphore(%run_scoped3A_120 : memref<!tpu.dma_semaphore, #tpu.memory_space<semaphore_mem>>) src(%dma_wait3A_136 : memref<128xi32, #tpu.memory_space<hbm>>) dst(%dma_wait3A_135 : memref<128xi32, #tpu.memory_space<vmem>>)
      tpu.yield
    }) : () -> ()
    %add3A_11 = arith.constant 384 : i32
    %add3A_12 = arith.addi %mul3A_2, %add3A_11 : i32
    %run_scoped3A_13 = arith.constant 3 : i32
    "tpu.region"() ({
      %run_scoped3A_120 = tpu.sem_alloc : memref<!tpu.dma_semaphore, #tpu.memory_space<semaphore_mem>>
      %dma_start3A_121 = arith.constant 0 : i32
      %dma_start3A_122 = tpu.memref_slice %arg5[%run_scoped3A_13, %dma_start3A_121] : memref<4x128xi32, #tpu.memory_space<vmem>> -> memref<1x128xi32, #tpu.memory_space<vmem>>
      %dma_start3A_123 = tpu.memref_squeeze %dma_start3A_122 : memref<1x128xi32, #tpu.memory_space<vmem>> -> memref<128xi32, #tpu.memory_space<vmem>>
      %dma_start3A_124 = tpu.memref_slice %arg3[%add3A_12] : memref<16384xi32, #tpu.memory_space<hbm>> -> memref<128xi32, #tpu.memory_space<hbm>>
      %dma_start3A_125 = arith.constant 0 : i32
      %dma_start3A_126 = tpu.memref_slice %arg5[%run_scoped3A_13, %dma_start3A_125] : memref<4x128xi32, #tpu.memory_space<vmem>> -> memref<1x128xi32, #tpu.memory_space<vmem>>
      %dma_start3A_127 = tpu.memref_squeeze %dma_start3A_126 : memref<1x128xi32, #tpu.memory_space<vmem>> -> memref<128xi32, #tpu.memory_space<vmem>>
      %dma_start3A_128 = tpu.memref_slice %arg3[%add3A_12] : memref<16384xi32, #tpu.memory_space<hbm>> -> memref<128xi32, #tpu.memory_space<hbm>>
      tpu.enqueue_dma source(%dma_start3A_128 : memref<128xi32, #tpu.memory_space<hbm>>) target(%dma_start3A_127 : memref<128xi32, #tpu.memory_space<vmem>>) target_semaphore(%run_scoped3A_120 : memref<!tpu.dma_semaphore, #tpu.memory_space<semaphore_mem>>)
      %dma_wait3A_129 = arith.constant 0 : i32
      %dma_wait3A_130 = tpu.memref_slice %arg5[%run_scoped3A_13, %dma_wait3A_129] : memref<4x128xi32, #tpu.memory_space<vmem>> -> memref<1x128xi32, #tpu.memory_space<vmem>>
      %dma_wait3A_131 = tpu.memref_squeeze %dma_wait3A_130 : memref<1x128xi32, #tpu.memory_space<vmem>> -> memref<128xi32, #tpu.memory_space<vmem>>
      %dma_wait3A_132 = tpu.memref_slice %arg3[%add3A_12] : memref<16384xi32, #tpu.memory_space<hbm>> -> memref<128xi32, #tpu.memory_space<hbm>>
      %dma_wait3A_133 = arith.constant 0 : i32
      %dma_wait3A_134 = tpu.memref_slice %arg5[%run_scoped3A_13, %dma_wait3A_133] : memref<4x128xi32, #tpu.memory_space<vmem>> -> memref<1x128xi32, #tpu.memory_space<vmem>>
      %dma_wait3A_135 = tpu.memref_squeeze %dma_wait3A_134 : memref<1x128xi32, #tpu.memory_space<vmem>> -> memref<128xi32, #tpu.memory_space<vmem>>
      %dma_wait3A_136 = tpu.memref_slice %arg3[%add3A_12] : memref<16384xi32, #tpu.memory_space<hbm>> -> memref<128xi32, #tpu.memory_space<hbm>>
      tpu.wait_dma2 semaphore(%run_scoped3A_120 : memref<!tpu.dma_semaphore, #tpu.memory_space<semaphore_mem>>) src(%dma_wait3A_136 : memref<128xi32, #tpu.memory_space<hbm>>) dst(%dma_wait3A_135 : memref<128xi32, #tpu.memory_space<vmem>>)
      tpu.yield
    }) : () -> ()
    %dma_start3A = arith.constant 0 : i32
    %dma_start3A_14 = arith.constant 0 : i32
    %dma_start3A_15 = arith.constant 0 : i32
    %dma_start3A_16 = arith.constant 0 : i32
    %dma_start3A_17 = tpu.memref_slice %arg6[%dma_start3A_14, %dma_start3A_15, %dma_start3A_16] : memref<4x128x64xf32, #tpu.memory_space<vmem>> -> memref<1x128x64xf32, #tpu.memory_space<vmem>>
    %dma_start3A_18 = tpu.memref_squeeze %dma_start3A_17 : memref<1x128x64xf32, #tpu.memory_space<vmem>> -> memref<128x64xf32, #tpu.memory_space<vmem>>
    %dma_start3A_19 = arith.constant 0 : i32
    %dma_start3A_20 = tpu.memref_slice %arg5[%dma_start3A, %dma_start3A_19] : memref<4x128xi32, #tpu.memory_space<vmem>> -> memref<1x128xi32, #tpu.memory_space<vmem>>
    %dma_start3A_21 = tpu.memref_squeeze %dma_start3A_20 : memref<1x128xi32, #tpu.memory_space<vmem>> -> memref<128xi32, #tpu.memory_space<vmem>>
    %dma_start3A_22 = arith.constant 0 : i32
    %dma_start3A_23 = arith.constant 0 : i32
    %dma_start3A_24 = tpu.memref_slice %arg2[%dma_start3A_22, %dma_start3A_23] : memref<512x64xf32, #tpu.memory_space<hbm>> -> memref<512x64xf32, #tpu.memory_space<hbm>>
    tpu.enqueue_indirect_dma source(%dma_start3A_24 : memref<512x64xf32, #tpu.memory_space<hbm>>) target(%dma_start3A_18 : memref<128x64xf32, #tpu.memory_space<vmem>>) offsets(%dma_start3A_21 : memref<128xi32, #tpu.memory_space<vmem>>) semaphore(%arg7 : memref<!tpu.dma_semaphore, #tpu.memory_space<semaphore_mem>>)
    %dma_start3A_25 = arith.constant 1 : i32
    %dma_start3A_26 = arith.constant 1 : i32
    %dma_start3A_27 = arith.constant 0 : i32
    %dma_start3A_28 = arith.constant 0 : i32
    %dma_start3A_29 = tpu.memref_slice %arg6[%dma_start3A_26, %dma_start3A_27, %dma_start3A_28] : memref<4x128x64xf32, #tpu.memory_space<vmem>> -> memref<1x128x64xf32, #tpu.memory_space<vmem>>
    %dma_start3A_30 = tpu.memref_squeeze %dma_start3A_29 : memref<1x128x64xf32, #tpu.memory_space<vmem>> -> memref<128x64xf32, #tpu.memory_space<vmem>>
    %dma_start3A_31 = arith.constant 0 : i32
    %dma_start3A_32 = tpu.memref_slice %arg5[%dma_start3A_25, %dma_start3A_31] : memref<4x128xi32, #tpu.memory_space<vmem>> -> memref<1x128xi32, #tpu.memory_space<vmem>>
    %dma_start3A_33 = tpu.memref_squeeze %dma_start3A_32 : memref<1x128xi32, #tpu.memory_space<vmem>> -> memref<128xi32, #tpu.memory_space<vmem>>
    %dma_start3A_34 = arith.constant 0 : i32
    %dma_start3A_35 = arith.constant 0 : i32
    %dma_start3A_36 = tpu.memref_slice %arg2[%dma_start3A_34, %dma_start3A_35] : memref<512x64xf32, #tpu.memory_space<hbm>> -> memref<512x64xf32, #tpu.memory_space<hbm>>
    tpu.enqueue_indirect_dma source(%dma_start3A_36 : memref<512x64xf32, #tpu.memory_space<hbm>>) target(%dma_start3A_30 : memref<128x64xf32, #tpu.memory_space<vmem>>) offsets(%dma_start3A_33 : memref<128xi32, #tpu.memory_space<vmem>>) semaphore(%arg7 : memref<!tpu.dma_semaphore, #tpu.memory_space<semaphore_mem>>)
    %dma_start3A_37 = arith.constant 2 : i32
    %dma_start3A_38 = arith.constant 2 : i32
    %dma_start3A_39 = arith.constant 0 : i32
    %dma_start3A_40 = arith.constant 0 : i32
    %dma_start3A_41 = tpu.memref_slice %arg6[%dma_start3A_38, %dma_start3A_39, %dma_start3A_40] : memref<4x128x64xf32, #tpu.memory_space<vmem>> -> memref<1x128x64xf32, #tpu.memory_space<vmem>>
    %dma_start3A_42 = tpu.memref_squeeze %dma_start3A_41 : memref<1x128x64xf32, #tpu.memory_space<vmem>> -> memref<128x64xf32, #tpu.memory_space<vmem>>
    %dma_start3A_43 = arith.constant 0 : i32
    %dma_start3A_44 = tpu.memref_slice %arg5[%dma_start3A_37, %dma_start3A_43] : memref<4x128xi32, #tpu.memory_space<vmem>> -> memref<1x128xi32, #tpu.memory_space<vmem>>
    %dma_start3A_45 = tpu.memref_squeeze %dma_start3A_44 : memref<1x128xi32, #tpu.memory_space<vmem>> -> memref<128xi32, #tpu.memory_space<vmem>>
    %dma_start3A_46 = arith.constant 0 : i32
    %dma_start3A_47 = arith.constant 0 : i32
    %dma_start3A_48 = tpu.memref_slice %arg2[%dma_start3A_46, %dma_start3A_47] : memref<512x64xf32, #tpu.memory_space<hbm>> -> memref<512x64xf32, #tpu.memory_space<hbm>>
    tpu.enqueue_indirect_dma source(%dma_start3A_48 : memref<512x64xf32, #tpu.memory_space<hbm>>) target(%dma_start3A_42 : memref<128x64xf32, #tpu.memory_space<vmem>>) offsets(%dma_start3A_45 : memref<128xi32, #tpu.memory_space<vmem>>) semaphore(%arg7 : memref<!tpu.dma_semaphore, #tpu.memory_space<semaphore_mem>>)
    %dma_start3A_49 = arith.constant 3 : i32
    %dma_start3A_50 = arith.constant 3 : i32
    %dma_start3A_51 = arith.constant 0 : i32
    %dma_start3A_52 = arith.constant 0 : i32
    %dma_start3A_53 = tpu.memref_slice %arg6[%dma_start3A_50, %dma_start3A_51, %dma_start3A_52] : memref<4x128x64xf32, #tpu.memory_space<vmem>> -> memref<1x128x64xf32, #tpu.memory_space<vmem>>
    %dma_start3A_54 = tpu.memref_squeeze %dma_start3A_53 : memref<1x128x64xf32, #tpu.memory_space<vmem>> -> memref<128x64xf32, #tpu.memory_space<vmem>>
    %dma_start3A_55 = arith.constant 0 : i32
    %dma_start3A_56 = tpu.memref_slice %arg5[%dma_start3A_49, %dma_start3A_55] : memref<4x128xi32, #tpu.memory_space<vmem>> -> memref<1x128xi32, #tpu.memory_space<vmem>>
    %dma_start3A_57 = tpu.memref_squeeze %dma_start3A_56 : memref<1x128xi32, #tpu.memory_space<vmem>> -> memref<128xi32, #tpu.memory_space<vmem>>
    %dma_start3A_58 = arith.constant 0 : i32
    %dma_start3A_59 = arith.constant 0 : i32
    %dma_start3A_60 = tpu.memref_slice %arg2[%dma_start3A_58, %dma_start3A_59] : memref<512x64xf32, #tpu.memory_space<hbm>> -> memref<512x64xf32, #tpu.memory_space<hbm>>
    tpu.enqueue_indirect_dma source(%dma_start3A_60 : memref<512x64xf32, #tpu.memory_space<hbm>>) target(%dma_start3A_54 : memref<128x64xf32, #tpu.memory_space<vmem>>) offsets(%dma_start3A_57 : memref<128xi32, #tpu.memory_space<vmem>>) semaphore(%arg7 : memref<!tpu.dma_semaphore, #tpu.memory_space<semaphore_mem>>)
    %dma_wait3A = arith.constant 0 : i32
    %dma_wait3A_61 = arith.constant 0 : i32
    %dma_wait3A_62 = arith.constant 0 : i32
    %dma_wait3A_63 = arith.constant 0 : i32
    %dma_wait3A_64 = tpu.memref_slice %arg6[%dma_wait3A_61, %dma_wait3A_62, %dma_wait3A_63] : memref<4x128x64xf32, #tpu.memory_space<vmem>> -> memref<1x128x64xf32, #tpu.memory_space<vmem>>
    %dma_wait3A_65 = tpu.memref_squeeze %dma_wait3A_64 : memref<1x128x64xf32, #tpu.memory_space<vmem>> -> memref<128x64xf32, #tpu.memory_space<vmem>>
    %dma_wait3A_66 = arith.constant 0 : i32
    %dma_wait3A_67 = tpu.memref_slice %arg5[%dma_wait3A, %dma_wait3A_66] : memref<4x128xi32, #tpu.memory_space<vmem>> -> memref<1x128xi32, #tpu.memory_space<vmem>>
    %dma_wait3A_68 = tpu.memref_squeeze %dma_wait3A_67 : memref<1x128xi32, #tpu.memory_space<vmem>> -> memref<128xi32, #tpu.memory_space<vmem>>
    %dma_wait3A_69 = arith.constant 0 : i32
    %dma_wait3A_70 = arith.constant 0 : i32
    %dma_wait3A_71 = tpu.memref_slice %arg2[%dma_wait3A_69, %dma_wait3A_70] : memref<512x64xf32, #tpu.memory_space<hbm>> -> memref<512x64xf32, #tpu.memory_space<hbm>>
    tpu.wait_indirect_dma semaphore(%arg7 : memref<!tpu.dma_semaphore, #tpu.memory_space<semaphore_mem>>) src(%dma_wait3A_71 : memref<512x64xf32, #tpu.memory_space<hbm>>) dst(%dma_wait3A_65 : memref<128x64xf32, #tpu.memory_space<vmem>>)
    %dma_wait3A_72 = arith.constant 1 : i32
    %dma_wait3A_73 = arith.constant 1 : i32
    %dma_wait3A_74 = arith.constant 0 : i32
    %dma_wait3A_75 = arith.constant 0 : i32
    %dma_wait3A_76 = tpu.memref_slice %arg6[%dma_wait3A_73, %dma_wait3A_74, %dma_wait3A_75] : memref<4x128x64xf32, #tpu.memory_space<vmem>> -> memref<1x128x64xf32, #tpu.memory_space<vmem>>
    %dma_wait3A_77 = tpu.memref_squeeze %dma_wait3A_76 : memref<1x128x64xf32, #tpu.memory_space<vmem>> -> memref<128x64xf32, #tpu.memory_space<vmem>>
    %dma_wait3A_78 = arith.constant 0 : i32
    %dma_wait3A_79 = tpu.memref_slice %arg5[%dma_wait3A_72, %dma_wait3A_78] : memref<4x128xi32, #tpu.memory_space<vmem>> -> memref<1x128xi32, #tpu.memory_space<vmem>>
    %dma_wait3A_80 = tpu.memref_squeeze %dma_wait3A_79 : memref<1x128xi32, #tpu.memory_space<vmem>> -> memref<128xi32, #tpu.memory_space<vmem>>
    %dma_wait3A_81 = arith.constant 0 : i32
    %dma_wait3A_82 = arith.constant 0 : i32
    %dma_wait3A_83 = tpu.memref_slice %arg2[%dma_wait3A_81, %dma_wait3A_82] : memref<512x64xf32, #tpu.memory_space<hbm>> -> memref<512x64xf32, #tpu.memory_space<hbm>>
    tpu.wait_indirect_dma semaphore(%arg7 : memref<!tpu.dma_semaphore, #tpu.memory_space<semaphore_mem>>) src(%dma_wait3A_83 : memref<512x64xf32, #tpu.memory_space<hbm>>) dst(%dma_wait3A_77 : memref<128x64xf32, #tpu.memory_space<vmem>>)
    %dma_wait3A_84 = arith.constant 2 : i32
    %dma_wait3A_85 = arith.constant 2 : i32
    %dma_wait3A_86 = arith.constant 0 : i32
    %dma_wait3A_87 = arith.constant 0 : i32
    %dma_wait3A_88 = tpu.memref_slice %arg6[%dma_wait3A_85, %dma_wait3A_86, %dma_wait3A_87] : memref<4x128x64xf32, #tpu.memory_space<vmem>> -> memref<1x128x64xf32, #tpu.memory_space<vmem>>
    %dma_wait3A_89 = tpu.memref_squeeze %dma_wait3A_88 : memref<1x128x64xf32, #tpu.memory_space<vmem>> -> memref<128x64xf32, #tpu.memory_space<vmem>>
    %dma_wait3A_90 = arith.constant 0 : i32
    %dma_wait3A_91 = tpu.memref_slice %arg5[%dma_wait3A_84, %dma_wait3A_90] : memref<4x128xi32, #tpu.memory_space<vmem>> -> memref<1x128xi32, #tpu.memory_space<vmem>>
    %dma_wait3A_92 = tpu.memref_squeeze %dma_wait3A_91 : memref<1x128xi32, #tpu.memory_space<vmem>> -> memref<128xi32, #tpu.memory_space<vmem>>
    %dma_wait3A_93 = arith.constant 0 : i32
    %dma_wait3A_94 = arith.constant 0 : i32
    %dma_wait3A_95 = tpu.memref_slice %arg2[%dma_wait3A_93, %dma_wait3A_94] : memref<512x64xf32, #tpu.memory_space<hbm>> -> memref<512x64xf32, #tpu.memory_space<hbm>>
    tpu.wait_indirect_dma semaphore(%arg7 : memref<!tpu.dma_semaphore, #tpu.memory_space<semaphore_mem>>) src(%dma_wait3A_95 : memref<512x64xf32, #tpu.memory_space<hbm>>) dst(%dma_wait3A_89 : memref<128x64xf32, #tpu.memory_space<vmem>>)
    %dma_wait3A_96 = arith.constant 3 : i32
    %dma_wait3A_97 = arith.constant 3 : i32
    %dma_wait3A_98 = arith.constant 0 : i32
    %dma_wait3A_99 = arith.constant 0 : i32
    %dma_wait3A_100 = tpu.memref_slice %arg6[%dma_wait3A_97, %dma_wait3A_98, %dma_wait3A_99] : memref<4x128x64xf32, #tpu.memory_space<vmem>> -> memref<1x128x64xf32, #tpu.memory_space<vmem>>
    %dma_wait3A_101 = tpu.memref_squeeze %dma_wait3A_100 : memref<1x128x64xf32, #tpu.memory_space<vmem>> -> memref<128x64xf32, #tpu.memory_space<vmem>>
    %dma_wait3A_102 = arith.constant 0 : i32
    %dma_wait3A_103 = tpu.memref_slice %arg5[%dma_wait3A_96, %dma_wait3A_102] : memref<4x128xi32, #tpu.memory_space<vmem>> -> memref<1x128xi32, #tpu.memory_space<vmem>>
    %dma_wait3A_104 = tpu.memref_squeeze %dma_wait3A_103 : memref<1x128xi32, #tpu.memory_space<vmem>> -> memref<128xi32, #tpu.memory_space<vmem>>
    %dma_wait3A_105 = arith.constant 0 : i32
    %dma_wait3A_106 = arith.constant 0 : i32
    %dma_wait3A_107 = tpu.memref_slice %arg2[%dma_wait3A_105, %dma_wait3A_106] : memref<512x64xf32, #tpu.memory_space<hbm>> -> memref<512x64xf32, #tpu.memory_space<hbm>>
    tpu.wait_indirect_dma semaphore(%arg7 : memref<!tpu.dma_semaphore, #tpu.memory_space<semaphore_mem>>) src(%dma_wait3A_107 : memref<512x64xf32, #tpu.memory_space<hbm>>) dst(%dma_wait3A_101 : memref<128x64xf32, #tpu.memory_space<vmem>>)
    %add3A_108 = arith.constant 0 : i32
    %add3A_109 = arith.addi %mul3A_2, %add3A_108 : i32
    %run_scoped3A_110 = arith.constant 0 : i32
    "tpu.region"() ({
      %run_scoped3A_120 = tpu.sem_alloc : memref<!tpu.dma_semaphore, #tpu.memory_space<semaphore_mem>>
      %dma_start3A_121 = arith.constant 0 : i32
      %dma_start3A_122 = arith.constant 0 : i32
      %dma_start3A_123 = tpu.memref_slice %arg6[%run_scoped3A_110, %dma_start3A_121, %dma_start3A_122] : memref<4x128x64xf32, #tpu.memory_space<vmem>> -> memref<1x128x64xf32, #tpu.memory_space<vmem>>
      %dma_start3A_124 = tpu.memref_squeeze %dma_start3A_123 : memref<1x128x64xf32, #tpu.memory_space<vmem>> -> memref<128x64xf32, #tpu.memory_space<vmem>>
      %dma_start3A_125 = arith.constant 0 : i32
      %dma_start3A_126 = tpu.memref_slice %arg4[%add3A_109, %dma_start3A_125] : memref<16384x64xf32, #tpu.memory_space<hbm>> -> memref<128x64xf32, #tpu.memory_space<hbm>>
      %dma_start3A_127 = arith.constant 0 : i32
      %dma_start3A_128 = tpu.memref_slice %arg4[%add3A_109, %dma_start3A_127] : memref<16384x64xf32, #tpu.memory_space<hbm>> -> memref<128x64xf32, #tpu.memory_space<hbm>>
      %dma_start3A_129 = arith.constant 0 : i32
      %dma_start3A_130 = arith.constant 0 : i32
      %dma_start3A_131 = tpu.memref_slice %arg6[%run_scoped3A_110, %dma_start3A_129, %dma_start3A_130] : memref<4x128x64xf32, #tpu.memory_space<vmem>> -> memref<1x128x64xf32, #tpu.memory_space<vmem>>
      %dma_start3A_132 = tpu.memref_squeeze %dma_start3A_131 : memref<1x128x64xf32, #tpu.memory_space<vmem>> -> memref<128x64xf32, #tpu.memory_space<vmem>>
      tpu.enqueue_dma source(%dma_start3A_132 : memref<128x64xf32, #tpu.memory_space<vmem>>) target(%dma_start3A_128 : memref<128x64xf32, #tpu.memory_space<hbm>>) target_semaphore(%run_scoped3A_120 : memref<!tpu.dma_semaphore, #tpu.memory_space<semaphore_mem>>)
      %dma_wait3A_133 = arith.constant 0 : i32
      %dma_wait3A_134 = arith.constant 0 : i32
      %dma_wait3A_135 = tpu.memref_slice %arg6[%run_scoped3A_110, %dma_wait3A_133, %dma_wait3A_134] : memref<4x128x64xf32, #tpu.memory_space<vmem>> -> memref<1x128x64xf32, #tpu.memory_space<vmem>>
      %dma_wait3A_136 = tpu.memref_squeeze %dma_wait3A_135 : memref<1x128x64xf32, #tpu.memory_space<vmem>> -> memref<128x64xf32, #tpu.memory_space<vmem>>
      %dma_wait3A_137 = arith.constant 0 : i32
      %dma_wait3A_138 = tpu.memref_slice %arg4[%add3A_109, %dma_wait3A_137] : memref<16384x64xf32, #tpu.memory_space<hbm>> -> memref<128x64xf32, #tpu.memory_space<hbm>>
      %dma_wait3A_139 = arith.constant 0 : i32
      %dma_wait3A_140 = tpu.memref_slice %arg4[%add3A_109, %dma_wait3A_139] : memref<16384x64xf32, #tpu.memory_space<hbm>> -> memref<128x64xf32, #tpu.memory_space<hbm>>
      %dma_wait3A_141 = arith.constant 0 : i32
      %dma_wait3A_142 = arith.constant 0 : i32
      %dma_wait3A_143 = tpu.memref_slice %arg6[%run_scoped3A_110, %dma_wait3A_141, %dma_wait3A_142] : memref<4x128x64xf32, #tpu.memory_space<vmem>> -> memref<1x128x64xf32, #tpu.memory_space<vmem>>
      %dma_wait3A_144 = tpu.memref_squeeze %dma_wait3A_143 : memref<1x128x64xf32, #tpu.memory_space<vmem>> -> memref<128x64xf32, #tpu.memory_space<vmem>>
      tpu.wait_dma2 semaphore(%run_scoped3A_120 : memref<!tpu.dma_semaphore, #tpu.memory_space<semaphore_mem>>) src(%dma_wait3A_144 : memref<128x64xf32, #tpu.memory_space<vmem>>) dst(%dma_wait3A_140 : memref<128x64xf32, #tpu.memory_space<hbm>>)
      tpu.yield
    }) : () -> ()
    %add3A_111 = arith.constant 128 : i32
    %add3A_112 = arith.addi %mul3A_2, %add3A_111 : i32
    %run_scoped3A_113 = arith.constant 1 : i32
    "tpu.region"() ({
      %run_scoped3A_120 = tpu.sem_alloc : memref<!tpu.dma_semaphore, #tpu.memory_space<semaphore_mem>>
      %dma_start3A_121 = arith.constant 0 : i32
      %dma_start3A_122 = arith.constant 0 : i32
      %dma_start3A_123 = tpu.memref_slice %arg6[%run_scoped3A_113, %dma_start3A_121, %dma_start3A_122] : memref<4x128x64xf32, #tpu.memory_space<vmem>> -> memref<1x128x64xf32, #tpu.memory_space<vmem>>
      %dma_start3A_124 = tpu.memref_squeeze %dma_start3A_123 : memref<1x128x64xf32, #tpu.memory_space<vmem>> -> memref<128x64xf32, #tpu.memory_space<vmem>>
      %dma_start3A_125 = arith.constant 0 : i32
      %dma_start3A_126 = tpu.memref_slice %arg4[%add3A_112, %dma_start3A_125] : memref<16384x64xf32, #tpu.memory_space<hbm>> -> memref<128x64xf32, #tpu.memory_space<hbm>>
      %dma_start3A_127 = arith.constant 0 : i32
      %dma_start3A_128 = tpu.memref_slice %arg4[%add3A_112, %dma_start3A_127] : memref<16384x64xf32, #tpu.memory_space<hbm>> -> memref<128x64xf32, #tpu.memory_space<hbm>>
      %dma_start3A_129 = arith.constant 0 : i32
      %dma_start3A_130 = arith.constant 0 : i32
      %dma_start3A_131 = tpu.memref_slice %arg6[%run_scoped3A_113, %dma_start3A_129, %dma_start3A_130] : memref<4x128x64xf32, #tpu.memory_space<vmem>> -> memref<1x128x64xf32, #tpu.memory_space<vmem>>
      %dma_start3A_132 = tpu.memref_squeeze %dma_start3A_131 : memref<1x128x64xf32, #tpu.memory_space<vmem>> -> memref<128x64xf32, #tpu.memory_space<vmem>>
      tpu.enqueue_dma source(%dma_start3A_132 : memref<128x64xf32, #tpu.memory_space<vmem>>) target(%dma_start3A_128 : memref<128x64xf32, #tpu.memory_space<hbm>>) target_semaphore(%run_scoped3A_120 : memref<!tpu.dma_semaphore, #tpu.memory_space<semaphore_mem>>)
      %dma_wait3A_133 = arith.constant 0 : i32
      %dma_wait3A_134 = arith.constant 0 : i32
      %dma_wait3A_135 = tpu.memref_slice %arg6[%run_scoped3A_113, %dma_wait3A_133, %dma_wait3A_134] : memref<4x128x64xf32, #tpu.memory_space<vmem>> -> memref<1x128x64xf32, #tpu.memory_space<vmem>>
      %dma_wait3A_136 = tpu.memref_squeeze %dma_wait3A_135 : memref<1x128x64xf32, #tpu.memory_space<vmem>> -> memref<128x64xf32, #tpu.memory_space<vmem>>
      %dma_wait3A_137 = arith.constant 0 : i32
      %dma_wait3A_138 = tpu.memref_slice %arg4[%add3A_112, %dma_wait3A_137] : memref<16384x64xf32, #tpu.memory_space<hbm>> -> memref<128x64xf32, #tpu.memory_space<hbm>>
      %dma_wait3A_139 = arith.constant 0 : i32
      %dma_wait3A_140 = tpu.memref_slice %arg4[%add3A_112, %dma_wait3A_139] : memref<16384x64xf32, #tpu.memory_space<hbm>> -> memref<128x64xf32, #tpu.memory_space<hbm>>
      %dma_wait3A_141 = arith.constant 0 : i32
      %dma_wait3A_142 = arith.constant 0 : i32
      %dma_wait3A_143 = tpu.memref_slice %arg6[%run_scoped3A_113, %dma_wait3A_141, %dma_wait3A_142] : memref<4x128x64xf32, #tpu.memory_space<vmem>> -> memref<1x128x64xf32, #tpu.memory_space<vmem>>
      %dma_wait3A_144 = tpu.memref_squeeze %dma_wait3A_143 : memref<1x128x64xf32, #tpu.memory_space<vmem>> -> memref<128x64xf32, #tpu.memory_space<vmem>>
      tpu.wait_dma2 semaphore(%run_scoped3A_120 : memref<!tpu.dma_semaphore, #tpu.memory_space<semaphore_mem>>) src(%dma_wait3A_144 : memref<128x64xf32, #tpu.memory_space<vmem>>) dst(%dma_wait3A_140 : memref<128x64xf32, #tpu.memory_space<hbm>>)
      tpu.yield
    }) : () -> ()
    %add3A_114 = arith.constant 256 : i32
    %add3A_115 = arith.addi %mul3A_2, %add3A_114 : i32
    %run_scoped3A_116 = arith.constant 2 : i32
    "tpu.region"() ({
      %run_scoped3A_120 = tpu.sem_alloc : memref<!tpu.dma_semaphore, #tpu.memory_space<semaphore_mem>>
      %dma_start3A_121 = arith.constant 0 : i32
      %dma_start3A_122 = arith.constant 0 : i32
      %dma_start3A_123 = tpu.memref_slice %arg6[%run_scoped3A_116, %dma_start3A_121, %dma_start3A_122] : memref<4x128x64xf32, #tpu.memory_space<vmem>> -> memref<1x128x64xf32, #tpu.memory_space<vmem>>
      %dma_start3A_124 = tpu.memref_squeeze %dma_start3A_123 : memref<1x128x64xf32, #tpu.memory_space<vmem>> -> memref<128x64xf32, #tpu.memory_space<vmem>>
      %dma_start3A_125 = arith.constant 0 : i32
      %dma_start3A_126 = tpu.memref_slice %arg4[%add3A_115, %dma_start3A_125] : memref<16384x64xf32, #tpu.memory_space<hbm>> -> memref<128x64xf32, #tpu.memory_space<hbm>>
      %dma_start3A_127 = arith.constant 0 : i32
      %dma_start3A_128 = tpu.memref_slice %arg4[%add3A_115, %dma_start3A_127] : memref<16384x64xf32, #tpu.memory_space<hbm>> -> memref<128x64xf32, #tpu.memory_space<hbm>>
      %dma_start3A_129 = arith.constant 0 : i32
      %dma_start3A_130 = arith.constant 0 : i32
      %dma_start3A_131 = tpu.memref_slice %arg6[%run_scoped3A_116, %dma_start3A_129, %dma_start3A_130] : memref<4x128x64xf32, #tpu.memory_space<vmem>> -> memref<1x128x64xf32, #tpu.memory_space<vmem>>
      %dma_start3A_132 = tpu.memref_squeeze %dma_start3A_131 : memref<1x128x64xf32, #tpu.memory_space<vmem>> -> memref<128x64xf32, #tpu.memory_space<vmem>>
      tpu.enqueue_dma source(%dma_start3A_132 : memref<128x64xf32, #tpu.memory_space<vmem>>) target(%dma_start3A_128 : memref<128x64xf32, #tpu.memory_space<hbm>>) target_semaphore(%run_scoped3A_120 : memref<!tpu.dma_semaphore, #tpu.memory_space<semaphore_mem>>)
      %dma_wait3A_133 = arith.constant 0 : i32
      %dma_wait3A_134 = arith.constant 0 : i32
      %dma_wait3A_135 = tpu.memref_slice %arg6[%run_scoped3A_116, %dma_wait3A_133, %dma_wait3A_134] : memref<4x128x64xf32, #tpu.memory_space<vmem>> -> memref<1x128x64xf32, #tpu.memory_space<vmem>>
      %dma_wait3A_136 = tpu.memref_squeeze %dma_wait3A_135 : memref<1x128x64xf32, #tpu.memory_space<vmem>> -> memref<128x64xf32, #tpu.memory_space<vmem>>
      %dma_wait3A_137 = arith.constant 0 : i32
      %dma_wait3A_138 = tpu.memref_slice %arg4[%add3A_115, %dma_wait3A_137] : memref<16384x64xf32, #tpu.memory_space<hbm>> -> memref<128x64xf32, #tpu.memory_space<hbm>>
      %dma_wait3A_139 = arith.constant 0 : i32
      %dma_wait3A_140 = tpu.memref_slice %arg4[%add3A_115, %dma_wait3A_139] : memref<16384x64xf32, #tpu.memory_space<hbm>> -> memref<128x64xf32, #tpu.memory_space<hbm>>
      %dma_wait3A_141 = arith.constant 0 : i32
      %dma_wait3A_142 = arith.constant 0 : i32
      %dma_wait3A_143 = tpu.memref_slice %arg6[%run_scoped3A_116, %dma_wait3A_141, %dma_wait3A_142] : memref<4x128x64xf32, #tpu.memory_space<vmem>> -> memref<1x128x64xf32, #tpu.memory_space<vmem>>
      %dma_wait3A_144 = tpu.memref_squeeze %dma_wait3A_143 : memref<1x128x64xf32, #tpu.memory_space<vmem>> -> memref<128x64xf32, #tpu.memory_space<vmem>>
      tpu.wait_dma2 semaphore(%run_scoped3A_120 : memref<!tpu.dma_semaphore, #tpu.memory_space<semaphore_mem>>) src(%dma_wait3A_144 : memref<128x64xf32, #tpu.memory_space<vmem>>) dst(%dma_wait3A_140 : memref<128x64xf32, #tpu.memory_space<hbm>>)
      tpu.yield
    }) : () -> ()
    %add3A_117 = arith.constant 384 : i32
    %add3A_118 = arith.addi %mul3A_2, %add3A_117 : i32
    %run_scoped3A_119 = arith.constant 3 : i32
    "tpu.region"() ({
      %run_scoped3A_120 = tpu.sem_alloc : memref<!tpu.dma_semaphore, #tpu.memory_space<semaphore_mem>>
      %dma_start3A_121 = arith.constant 0 : i32
      %dma_start3A_122 = arith.constant 0 : i32
      %dma_start3A_123 = tpu.memref_slice %arg6[%run_scoped3A_119, %dma_start3A_121, %dma_start3A_122] : memref<4x128x64xf32, #tpu.memory_space<vmem>> -> memref<1x128x64xf32, #tpu.memory_space<vmem>>
      %dma_start3A_124 = tpu.memref_squeeze %dma_start3A_123 : memref<1x128x64xf32, #tpu.memory_space<vmem>> -> memref<128x64xf32, #tpu.memory_space<vmem>>
      %dma_start3A_125 = arith.constant 0 : i32
      %dma_start3A_126 = tpu.memref_slice %arg4[%add3A_118, %dma_start3A_125] : memref<16384x64xf32, #tpu.memory_space<hbm>> -> memref<128x64xf32, #tpu.memory_space<hbm>>
      %dma_start3A_127 = arith.constant 0 : i32
      %dma_start3A_128 = tpu.memref_slice %arg4[%add3A_118, %dma_start3A_127] : memref<16384x64xf32, #tpu.memory_space<hbm>> -> memref<128x64xf32, #tpu.memory_space<hbm>>
      %dma_start3A_129 = arith.constant 0 : i32
      %dma_start3A_130 = arith.constant 0 : i32
      %dma_start3A_131 = tpu.memref_slice %arg6[%run_scoped3A_119, %dma_start3A_129, %dma_start3A_130] : memref<4x128x64xf32, #tpu.memory_space<vmem>> -> memref<1x128x64xf32, #tpu.memory_space<vmem>>
      %dma_start3A_132 = tpu.memref_squeeze %dma_start3A_131 : memref<1x128x64xf32, #tpu.memory_space<vmem>> -> memref<128x64xf32, #tpu.memory_space<vmem>>
      tpu.enqueue_dma source(%dma_start3A_132 : memref<128x64xf32, #tpu.memory_space<vmem>>) target(%dma_start3A_128 : memref<128x64xf32, #tpu.memory_space<hbm>>) target_semaphore(%run_scoped3A_120 : memref<!tpu.dma_semaphore, #tpu.memory_space<semaphore_mem>>)
      %dma_wait3A_133 = arith.constant 0 : i32
      %dma_wait3A_134 = arith.constant 0 : i32
      %dma_wait3A_135 = tpu.memref_slice %arg6[%run_scoped3A_119, %dma_wait3A_133, %dma_wait3A_134] : memref<4x128x64xf32, #tpu.memory_space<vmem>> -> memref<1x128x64xf32, #tpu.memory_space<vmem>>
      %dma_wait3A_136 = tpu.memref_squeeze %dma_wait3A_135 : memref<1x128x64xf32, #tpu.memory_space<vmem>> -> memref<128x64xf32, #tpu.memory_space<vmem>>
      %dma_wait3A_137 = arith.constant 0 : i32
      %dma_wait3A_138 = tpu.memref_slice %arg4[%add3A_118, %dma_wait3A_137] : memref<16384x64xf32, #tpu.memory_space<hbm>> -> memref<128x64xf32, #tpu.memory_space<hbm>>
      %dma_wait3A_139 = arith.constant 0 : i32
      %dma_wait3A_140 = tpu.memref_slice %arg4[%add3A_118, %dma_wait3A_139] : memref<16384x64xf32, #tpu.memory_space<hbm>> -> memref<128x64xf32, #tpu.memory_space<hbm>>
      %dma_wait3A_141 = arith.constant 0 : i32
      %dma_wait3A_142 = arith.constant 0 : i32
      %dma_wait3A_143 = tpu.memref_slice %arg6[%run_scoped3A_119, %dma_wait3A_141, %dma_wait3A_142] : memref<4x128x64xf32, #tpu.memory_space<vmem>> -> memref<1x128x64xf32, #tpu.memory_space<vmem>>
      %dma_wait3A_144 = tpu.memref_squeeze %dma_wait3A_143 : memref<1x128x64xf32, #tpu.memory_space<vmem>> -> memref<128x64xf32, #tpu.memory_space<vmem>>
      tpu.wait_dma2 semaphore(%run_scoped3A_120 : memref<!tpu.dma_semaphore, #tpu.memory_space<semaphore_mem>>) src(%dma_wait3A_144 : memref<128x64xf32, #tpu.memory_space<vmem>>) dst(%dma_wait3A_140 : memref<128x64xf32, #tpu.memory_space<hbm>>)
      tpu.yield
    }) : () -> ()
    return
  }
}

module attributes {stable_mosaic.version = 14 : i64} {
  func.func @_enc_body(%arg0: i32, %arg1: memref<4096x142xf32, #tpu.memory_space<vmem>>, %arg2: memref<4096x19xf32, #tpu.memory_space<vmem>>, %arg3: memref<161x256xf32, #tpu.memory_space<vmem>>, %arg4: memref<1x256xf32, #tpu.memory_space<vmem>>, %arg5: memref<256x256xf32, #tpu.memory_space<vmem>>, %arg6: memref<1x256xf32, #tpu.memory_space<vmem>>, %arg7: memref<256x64xf32, #tpu.memory_space<vmem>>, %arg8: memref<1x64xf32, #tpu.memory_space<vmem>>, %arg9: memref<512x64xf32, #tpu.memory_space<vmem>>, %arg10: memref<1x512xf32, #tpu.memory_space<vmem>>, %arg11: memref<4096x64xf32, #tpu.memory_space<vmem>>, %arg12: memref<4096x1xi32, #tpu.memory_space<vmem>>) attributes {dimension_semantics = [#tpu.dimension_semantics<parallel>], iteration_bounds = array<i64: 4>, scalar_prefetch = 0 : i64, scratch_operands = 0 : i64, tpu.core_type = #tpu.core_type<tc>, window_params = [{transform_indices = @transform_0, window_bounds = array<i64: 4096, 142>}, {transform_indices = @transform_1, window_bounds = array<i64: 4096, 19>}, {pipeline_mode = #tpu.pipeline_mode<synchronous>, transform_indices = @transform_2, window_bounds = array<i64: 161, 256>}, {pipeline_mode = #tpu.pipeline_mode<synchronous>, transform_indices = @transform_3, window_bounds = array<i64: 1, 256>}, {pipeline_mode = #tpu.pipeline_mode<synchronous>, transform_indices = @transform_4, window_bounds = array<i64: 256, 256>}, {pipeline_mode = #tpu.pipeline_mode<synchronous>, transform_indices = @transform_5, window_bounds = array<i64: 1, 256>}, {pipeline_mode = #tpu.pipeline_mode<synchronous>, transform_indices = @transform_6, window_bounds = array<i64: 256, 64>}, {pipeline_mode = #tpu.pipeline_mode<synchronous>, transform_indices = @transform_7, window_bounds = array<i64: 1, 64>}, {pipeline_mode = #tpu.pipeline_mode<synchronous>, transform_indices = @transform_8, window_bounds = array<i64: 512, 64>}, {pipeline_mode = #tpu.pipeline_mode<synchronous>, transform_indices = @transform_9, window_bounds = array<i64: 1, 512>}, {transform_indices = @transform_10, window_bounds = array<i64: 4096, 64>}, {transform_indices = @transform_11, window_bounds = array<i64: 4096, 1>}]} {
    %get3A = arith.constant 0 : index
    %get3A_0 = arith.constant 0 : index
    %get3A_1 = vector.load %arg1[%get3A, %get3A_0] : memref<4096x142xf32, #tpu.memory_space<vmem>>, vector<4096x142xf32>
    %get3A_2 = arith.constant 0 : index
    %get3A_3 = arith.constant 0 : index
    %get3A_4 = vector.load %arg2[%get3A_2, %get3A_3] : memref<4096x19xf32, #tpu.memory_space<vmem>>, vector<4096x19xf32>
    %concatenate3A = tpu.concatenate %get3A_1, %get3A_4 in 1 : vector<4096x142xf32>, vector<4096x19xf32> -> vector<4096x161xf32>
    %get3A_5 = arith.constant 0 : index
    %get3A_6 = arith.constant 0 : index
    %get3A_7 = vector.load %arg3[%get3A_5, %get3A_6] : memref<161x256xf32, #tpu.memory_space<vmem>>, vector<161x256xf32>
    %dot_general3A = arith.constant dense<0.000000e+00> : vector<4096x256xf32>
    %dot_general3A_8 = tpu.matmul %concatenate3A, %get3A_7, %dot_general3A {dimension_numbers = #tpu.dot_dimension_numbers<[1], [0], [0], [1], [0, 0, 1, 1], [], []>, transpose_lhs_hint = false} : vector<4096x161xf32>, vector<161x256xf32>, vector<4096x256xf32> -> vector<4096x256xf32>
    %get3A_9 = arith.constant 0 : index
    %get3A_10 = arith.constant 0 : index
    %get3A_11 = vector.load %arg4[%get3A_9, %get3A_10] : memref<1x256xf32, #tpu.memory_space<vmem>>, vector<1x256xf32>
    %add3A = vector.broadcast %get3A_11 : vector<1x256xf32> to vector<4096x256xf32>
    %add3A_12 = arith.addf %dot_general3A_8, %add3A : vector<4096x256xf32>
    %max3A = arith.constant 0.000000e+00 : f32
    %max3A_13 = vector.broadcast %max3A : f32 to vector<4096x256xf32>
    %max3A_14 = arith.maximumf %add3A_12, %max3A_13 : vector<4096x256xf32>
    %get3A_15 = arith.constant 0 : index
    %get3A_16 = arith.constant 0 : index
    %get3A_17 = vector.load %arg5[%get3A_15, %get3A_16] : memref<256x256xf32, #tpu.memory_space<vmem>>, vector<256x256xf32>
    %dot_general3A_18 = arith.constant dense<0.000000e+00> : vector<4096x256xf32>
    %dot_general3A_19 = tpu.matmul %max3A_14, %get3A_17, %dot_general3A_18 {dimension_numbers = #tpu.dot_dimension_numbers<[1], [0], [0], [1], [0, 0, 1, 1], [], []>, transpose_lhs_hint = false} : vector<4096x256xf32>, vector<256x256xf32>, vector<4096x256xf32> -> vector<4096x256xf32>
    %get3A_20 = arith.constant 0 : index
    %get3A_21 = arith.constant 0 : index
    %get3A_22 = vector.load %arg6[%get3A_20, %get3A_21] : memref<1x256xf32, #tpu.memory_space<vmem>>, vector<1x256xf32>
    %add3A_23 = vector.broadcast %get3A_22 : vector<1x256xf32> to vector<4096x256xf32>
    %add3A_24 = arith.addf %dot_general3A_19, %add3A_23 : vector<4096x256xf32>
    %max3A_25 = arith.constant 0.000000e+00 : f32
    %max3A_26 = vector.broadcast %max3A_25 : f32 to vector<4096x256xf32>
    %max3A_27 = arith.maximumf %add3A_24, %max3A_26 : vector<4096x256xf32>
    %get3A_28 = arith.constant 0 : index
    %get3A_29 = arith.constant 0 : index
    %get3A_30 = vector.load %arg7[%get3A_28, %get3A_29] : memref<256x64xf32, #tpu.memory_space<vmem>>, vector<256x64xf32>
    %dot_general3A_31 = arith.constant dense<0.000000e+00> : vector<4096x64xf32>
    %dot_general3A_32 = tpu.matmul %max3A_27, %get3A_30, %dot_general3A_31 {dimension_numbers = #tpu.dot_dimension_numbers<[1], [0], [0], [1], [0, 0, 1, 1], [], []>, transpose_lhs_hint = false} : vector<4096x256xf32>, vector<256x64xf32>, vector<4096x64xf32> -> vector<4096x64xf32>
    %get3A_33 = arith.constant 0 : index
    %get3A_34 = arith.constant 0 : index
    %get3A_35 = vector.load %arg8[%get3A_33, %get3A_34] : memref<1x64xf32, #tpu.memory_space<vmem>>, vector<1x64xf32>
    %add3A_36 = vector.broadcast %get3A_35 : vector<1x64xf32> to vector<4096x64xf32>
    %add3A_37 = arith.addf %dot_general3A_32, %add3A_36 : vector<4096x64xf32>
    %swap3A = arith.constant 0 : index
    %swap3A_38 = arith.constant 0 : index
    %swap3A_39 = vector.load %arg11[%swap3A, %swap3A_38] : memref<4096x64xf32, #tpu.memory_space<vmem>>, vector<4096x64xf32>
    tpu.vector_store %arg11[%swap3A, %swap3A_38], %add3A_37 {strides = array<i32>} : memref<4096x64xf32, #tpu.memory_space<vmem>>, vector<4096x64xf32>,
    %get3A_40 = arith.constant 0 : index
    %get3A_41 = arith.constant 0 : index
    %get3A_42 = vector.load %arg9[%get3A_40, %get3A_41] : memref<512x64xf32, #tpu.memory_space<vmem>>, vector<512x64xf32>
    %dot_general3A_43 = arith.constant dense<0.000000e+00> : vector<4096x512xf32>
    %dot_general3A_44 = tpu.matmul %add3A_37, %get3A_42, %dot_general3A_43 {dimension_numbers = #tpu.dot_dimension_numbers<[1], [1], [0], [0], [0, 0, 1, 0], [], []>, transpose_lhs_hint = false} : vector<4096x64xf32>, vector<512x64xf32>, vector<4096x512xf32> -> vector<4096x512xf32>
    %get3A_45 = arith.constant 0 : index
    %get3A_46 = arith.constant 0 : index
    %get3A_47 = vector.load %arg10[%get3A_45, %get3A_46] : memref<1x512xf32, #tpu.memory_space<vmem>>, vector<1x512xf32>
    %add3A_48 = vector.broadcast %get3A_47 : vector<1x512xf32> to vector<4096x512xf32>
    %add3A_49 = arith.addf %dot_general3A_44, %add3A_48 : vector<4096x512xf32>
    %reduce_min3A = arith.constant dense<0x7F800000> : vector<4096xf32>
    %reduce_min3A_50 = vector.multi_reduction <minimumf>, %add3A_49, %reduce_min3A [1] : vector<4096x512xf32> to vector<4096xf32>
    %broadcast_in_dim3A = vector.shape_cast %reduce_min3A_50 : vector<4096xf32> to vector<4096x1xf32>
    %iota3A = tpu.iota {dimensions = array<i32: 1>} : vector<4096x512xi32>
    %eq3A = vector.broadcast %broadcast_in_dim3A : vector<4096x1xf32> to vector<4096x512xf32>
    %eq3A_51 = arith.cmpf oeq, %add3A_49, %eq3A : vector<4096x512xf32>
    %jit3A = arith.constant 512 : i32
    %broadcast_in_dim3A_52 = vector.broadcast %jit3A : i32 to vector<4096x512xi32>
    %select_n3A = arith.select %eq3A_51, %iota3A, %broadcast_in_dim3A_52 : vector<4096x512xi1>, vector<4096x512xi32>
    %reduce_min3A_53 = arith.constant dense<2147483647> : vector<4096xi32>
    %reduce_min3A_54 = vector.multi_reduction <minsi>, %select_n3A, %reduce_min3A_53 [1] : vector<4096x512xi32> to vector<4096xi32>
    %broadcast_in_dim3A_55 = vector.shape_cast %reduce_min3A_54 : vector<4096xi32> to vector<4096x1xi32>
    %swap3A_56 = arith.constant 0 : index
    %swap3A_57 = arith.constant 0 : index
    %swap3A_58 = vector.load %arg12[%swap3A_56, %swap3A_57] : memref<4096x1xi32, #tpu.memory_space<vmem>>, vector<4096x1xi32>
    tpu.vector_store %arg12[%swap3A_56, %swap3A_57], %broadcast_in_dim3A_55 {strides = array<i32>} : memref<4096x1xi32, #tpu.memory_space<vmem>>, vector<4096x1xi32>,
    return
  }
  func.func @transform_0(%arg0: i32) -> (i32, i32) {
    %c0_i32 = arith.constant 0 : i32
    %c0_i32_0 = arith.constant 0 : i32
    return %arg0, %c0_i32 : i32, i32
  }
  func.func @transform_1(%arg0: i32) -> (i32, i32) {
    %c0_i32 = arith.constant 0 : i32
    %c0_i32_0 = arith.constant 0 : i32
    return %arg0, %c0_i32 : i32, i32
  }
  func.func @transform_2(%arg0: i32) -> (i32, i32) {
    %c0_i32 = arith.constant 0 : i32
    %c0_i32_0 = arith.constant 0 : i32
    %c0_i32_1 = arith.constant 0 : i32
    return %c0_i32, %c0_i32_0 : i32, i32
  }
  func.func @transform_3(%arg0: i32) -> (i32, i32) {
    %c0_i32 = arith.constant 0 : i32
    %c0_i32_0 = arith.constant 0 : i32
    %c0_i32_1 = arith.constant 0 : i32
    return %c0_i32, %c0_i32_0 : i32, i32
  }
  func.func @transform_4(%arg0: i32) -> (i32, i32) {
    %c0_i32 = arith.constant 0 : i32
    %c0_i32_0 = arith.constant 0 : i32
    %c0_i32_1 = arith.constant 0 : i32
    return %c0_i32, %c0_i32_0 : i32, i32
  }
  func.func @transform_5(%arg0: i32) -> (i32, i32) {
    %c0_i32 = arith.constant 0 : i32
    %c0_i32_0 = arith.constant 0 : i32
    %c0_i32_1 = arith.constant 0 : i32
    return %c0_i32, %c0_i32_0 : i32, i32
  }
  func.func @transform_6(%arg0: i32) -> (i32, i32) {
    %c0_i32 = arith.constant 0 : i32
    %c0_i32_0 = arith.constant 0 : i32
    %c0_i32_1 = arith.constant 0 : i32
    return %c0_i32, %c0_i32_0 : i32, i32
  }
  func.func @transform_7(%arg0: i32) -> (i32, i32) {
    %c0_i32 = arith.constant 0 : i32
    %c0_i32_0 = arith.constant 0 : i32
    %c0_i32_1 = arith.constant 0 : i32
    return %c0_i32, %c0_i32_0 : i32, i32
  }
  func.func @transform_8(%arg0: i32) -> (i32, i32) {
    %c0_i32 = arith.constant 0 : i32
    %c0_i32_0 = arith.constant 0 : i32
    %c0_i32_1 = arith.constant 0 : i32
    return %c0_i32, %c0_i32_0 : i32, i32
  }
  func.func @transform_9(%arg0: i32) -> (i32, i32) {
    %c0_i32 = arith.constant 0 : i32
    %c0_i32_0 = arith.constant 0 : i32
    %c0_i32_1 = arith.constant 0 : i32
    return %c0_i32, %c0_i32_0 : i32, i32
  }
  func.func @transform_10(%arg0: i32) -> (i32, i32) {
    %c0_i32 = arith.constant 0 : i32
    %c0_i32_0 = arith.constant 0 : i32
    return %arg0, %c0_i32 : i32, i32
  }
  func.func @transform_11(%arg0: i32) -> (i32, i32) {
    %c0_i32 = arith.constant 0 : i32
    %c0_i32_0 = arith.constant 0 : i32
    return %arg0, %c0_i32 : i32, i32
  }
}

module attributes {stable_mosaic.version = 14 : i64} {
  func.func @_dec_body(%arg0: i32, %arg1: memref<4096x64xf32, #tpu.memory_space<vmem>>, %arg2: memref<4096x64xf32, #tpu.memory_space<vmem>>, %arg3: memref<4096x19xf32, #tpu.memory_space<vmem>>, %arg4: memref<83x256xf32, #tpu.memory_space<vmem>>, %arg5: memref<1x256xf32, #tpu.memory_space<vmem>>, %arg6: memref<256x256xf32, #tpu.memory_space<vmem>>, %arg7: memref<1x256xf32, #tpu.memory_space<vmem>>, %arg8: memref<256x142xf32, #tpu.memory_space<vmem>>, %arg9: memref<1x142xf32, #tpu.memory_space<vmem>>, %arg10: memref<4096x142xf32, #tpu.memory_space<vmem>>, %arg11: memref<1x1x1xf32, #tpu.memory_space<vmem>>) attributes {dimension_semantics = [#tpu.dimension_semantics<parallel>], iteration_bounds = array<i64: 4>, scalar_prefetch = 0 : i64, scratch_operands = 0 : i64, tpu.core_type = #tpu.core_type<tc>, window_params = [{transform_indices = @transform_0, window_bounds = array<i64: 4096, 64>}, {transform_indices = @transform_1, window_bounds = array<i64: 4096, 64>}, {transform_indices = @transform_2, window_bounds = array<i64: 4096, 19>}, {pipeline_mode = #tpu.pipeline_mode<synchronous>, transform_indices = @transform_3, window_bounds = array<i64: 83, 256>}, {pipeline_mode = #tpu.pipeline_mode<synchronous>, transform_indices = @transform_4, window_bounds = array<i64: 1, 256>}, {pipeline_mode = #tpu.pipeline_mode<synchronous>, transform_indices = @transform_5, window_bounds = array<i64: 256, 256>}, {pipeline_mode = #tpu.pipeline_mode<synchronous>, transform_indices = @transform_6, window_bounds = array<i64: 1, 256>}, {pipeline_mode = #tpu.pipeline_mode<synchronous>, transform_indices = @transform_7, window_bounds = array<i64: 256, 142>}, {pipeline_mode = #tpu.pipeline_mode<synchronous>, transform_indices = @transform_8, window_bounds = array<i64: 1, 142>}, {transform_indices = @transform_9, window_bounds = array<i64: 4096, 142>}, {transform_indices = @transform_10, window_bounds = array<i64: 1, 1, 1>}]} {
    %get3A = arith.constant 0 : index
    %get3A_0 = arith.constant 0 : index
    %get3A_1 = vector.load %arg1[%get3A, %get3A_0] : memref<4096x64xf32, #tpu.memory_space<vmem>>, vector<4096x64xf32>
    %get3A_2 = arith.constant 0 : index
    %get3A_3 = arith.constant 0 : index
    %get3A_4 = vector.load %arg2[%get3A_2, %get3A_3] : memref<4096x64xf32, #tpu.memory_space<vmem>>, vector<4096x64xf32>
    %get3A_5 = arith.constant 0 : index
    %get3A_6 = arith.constant 0 : index
    %get3A_7 = vector.load %arg3[%get3A_5, %get3A_6] : memref<4096x19xf32, #tpu.memory_space<vmem>>, vector<4096x19xf32>
    %sub3A = arith.subf %get3A_1, %get3A_4 : vector<4096x64xf32>
    %mul3A = arith.mulf %sub3A, %sub3A : vector<4096x64xf32>
    %reduce_sum3A = vector.shape_cast %mul3A : vector<4096x64xf32> to vector<1x4096x64xf32>
    %reduce_sum3A_8 = arith.constant dense<0.000000e+00> : vector<1xf32>
    %reduce_sum3A_9 = vector.multi_reduction <add>, %reduce_sum3A, %reduce_sum3A_8 [1, 2] : vector<1x4096x64xf32> to vector<1xf32>
    %reduce_sum3A_10 = vector.shape_cast %reduce_sum3A_9 : vector<1xf32> to vector<1x1x1xf32>
    %reduce_sum3A_11 = vector.extract %reduce_sum3A_10[0, 0, 0] : f32 from vector<1x1x1xf32>
    %reshape3A = vector.broadcast %reduce_sum3A_11 : f32 to vector<1x1x1xf32>
    %swap3A = arith.constant 0 : index
    %swap3A_12 = arith.constant 0 : index
    %swap3A_13 = arith.constant 0 : index
    %swap3A_14 = vector.load %arg11[%swap3A, %swap3A_12, %swap3A_13] : memref<1x1x1xf32, #tpu.memory_space<vmem>>, vector<1x1x1xf32>
    tpu.vector_store %arg11[%swap3A, %swap3A_12, %swap3A_13], %reshape3A {strides = array<i32>} : memref<1x1x1xf32, #tpu.memory_space<vmem>>, vector<1x1x1xf32>,
    %concatenate3A = tpu.concatenate %get3A_4, %get3A_7 in 1 : vector<4096x64xf32>, vector<4096x19xf32> -> vector<4096x83xf32>
    %get3A_15 = arith.constant 0 : index
    %get3A_16 = arith.constant 0 : index
    %get3A_17 = vector.load %arg4[%get3A_15, %get3A_16] : memref<83x256xf32, #tpu.memory_space<vmem>>, vector<83x256xf32>
    %convert_element_type3A = arith.truncf %concatenate3A : vector<4096x83xf32> to vector<4096x83xbf16>
    %convert_element_type3A_18 = arith.truncf %get3A_17 : vector<83x256xf32> to vector<83x256xbf16>
    %dot_general3A = arith.constant dense<0.000000e+00> : vector<4096x256xf32>
    %dot_general3A_19 = tpu.matmul %convert_element_type3A, %convert_element_type3A_18, %dot_general3A {dimension_numbers = #tpu.dot_dimension_numbers<[1], [0], [0], [1], [0, 0, 1, 1], [], []>, transpose_lhs_hint = false} : vector<4096x83xbf16>, vector<83x256xbf16>, vector<4096x256xf32> -> vector<4096x256xf32>
    %get3A_20 = arith.constant 0 : index
    %get3A_21 = arith.constant 0 : index
    %get3A_22 = vector.load %arg5[%get3A_20, %get3A_21] : memref<1x256xf32, #tpu.memory_space<vmem>>, vector<1x256xf32>
    %add3A = vector.broadcast %get3A_22 : vector<1x256xf32> to vector<4096x256xf32>
    %add3A_23 = arith.addf %dot_general3A_19, %add3A : vector<4096x256xf32>
    %max3A = arith.constant 0.000000e+00 : f32
    %max3A_24 = vector.broadcast %max3A : f32 to vector<4096x256xf32>
    %max3A_25 = arith.maximumf %add3A_23, %max3A_24 : vector<4096x256xf32>
    %get3A_26 = arith.constant 0 : index
    %get3A_27 = arith.constant 0 : index
    %get3A_28 = vector.load %arg6[%get3A_26, %get3A_27] : memref<256x256xf32, #tpu.memory_space<vmem>>, vector<256x256xf32>
    %convert_element_type3A_29 = arith.truncf %max3A_25 : vector<4096x256xf32> to vector<4096x256xbf16>
    %convert_element_type3A_30 = arith.truncf %get3A_28 : vector<256x256xf32> to vector<256x256xbf16>
    %dot_general3A_31 = arith.constant dense<0.000000e+00> : vector<4096x256xf32>
    %dot_general3A_32 = tpu.matmul %convert_element_type3A_29, %convert_element_type3A_30, %dot_general3A_31 {dimension_numbers = #tpu.dot_dimension_numbers<[1], [0], [0], [1], [0, 0, 1, 1], [], []>, transpose_lhs_hint = false} : vector<4096x256xbf16>, vector<256x256xbf16>, vector<4096x256xf32> -> vector<4096x256xf32>
    %get3A_33 = arith.constant 0 : index
    %get3A_34 = arith.constant 0 : index
    %get3A_35 = vector.load %arg7[%get3A_33, %get3A_34] : memref<1x256xf32, #tpu.memory_space<vmem>>, vector<1x256xf32>
    %add3A_36 = vector.broadcast %get3A_35 : vector<1x256xf32> to vector<4096x256xf32>
    %add3A_37 = arith.addf %dot_general3A_32, %add3A_36 : vector<4096x256xf32>
    %max3A_38 = arith.constant 0.000000e+00 : f32
    %max3A_39 = vector.broadcast %max3A_38 : f32 to vector<4096x256xf32>
    %max3A_40 = arith.maximumf %add3A_37, %max3A_39 : vector<4096x256xf32>
    %get3A_41 = arith.constant 0 : index
    %get3A_42 = arith.constant 0 : index
    %get3A_43 = vector.load %arg8[%get3A_41, %get3A_42] : memref<256x142xf32, #tpu.memory_space<vmem>>, vector<256x142xf32>
    %dot_general3A_44 = arith.constant dense<0.000000e+00> : vector<4096x142xf32>
    %dot_general3A_45 = tpu.matmul %max3A_40, %get3A_43, %dot_general3A_44 {dimension_numbers = #tpu.dot_dimension_numbers<[1], [0], [0], [1], [0, 0, 1, 1], [], []>, transpose_lhs_hint = false} : vector<4096x256xf32>, vector<256x142xf32>, vector<4096x142xf32> -> vector<4096x142xf32>
    %get3A_46 = arith.constant 0 : index
    %get3A_47 = arith.constant 0 : index
    %get3A_48 = vector.load %arg9[%get3A_46, %get3A_47] : memref<1x142xf32, #tpu.memory_space<vmem>>, vector<1x142xf32>
    %add3A_49 = vector.broadcast %get3A_48 : vector<1x142xf32> to vector<4096x142xf32>
    %add3A_50 = arith.addf %dot_general3A_45, %add3A_49 : vector<4096x142xf32>
    %swap3A_51 = arith.constant 0 : index
    %swap3A_52 = arith.constant 0 : index
    %swap3A_53 = vector.load %arg10[%swap3A_51, %swap3A_52] : memref<4096x142xf32, #tpu.memory_space<vmem>>, vector<4096x142xf32>
    tpu.vector_store %arg10[%swap3A_51, %swap3A_52], %add3A_50 {strides = array<i32>} : memref<4096x142xf32, #tpu.memory_space<vmem>>, vector<4096x142xf32>,
    return
  }
  func.func @transform_0(%arg0: i32) -> (i32, i32) {
    %c0_i32 = arith.constant 0 : i32
    %c0_i32_0 = arith.constant 0 : i32
    return %arg0, %c0_i32 : i32, i32
  }
  func.func @transform_1(%arg0: i32) -> (i32, i32) {
    %c0_i32 = arith.constant 0 : i32
    %c0_i32_0 = arith.constant 0 : i32
    return %arg0, %c0_i32 : i32, i32
  }
  func.func @transform_2(%arg0: i32) -> (i32, i32) {
    %c0_i32 = arith.constant 0 : i32
    %c0_i32_0 = arith.constant 0 : i32
    return %arg0, %c0_i32 : i32, i32
  }
  func.func @transform_3(%arg0: i32) -> (i32, i32) {
    %c0_i32 = arith.constant 0 : i32
    %c0_i32_0 = arith.constant 0 : i32
    %c0_i32_1 = arith.constant 0 : i32
    return %c0_i32, %c0_i32_0 : i32, i32
  }
  func.func @transform_4(%arg0: i32) -> (i32, i32) {
    %c0_i32 = arith.constant 0 : i32
    %c0_i32_0 = arith.constant 0 : i32
    %c0_i32_1 = arith.constant 0 : i32
    return %c0_i32, %c0_i32_0 : i32, i32
  }
  func.func @transform_5(%arg0: i32) -> (i32, i32) {
    %c0_i32 = arith.constant 0 : i32
    %c0_i32_0 = arith.constant 0 : i32
    %c0_i32_1 = arith.constant 0 : i32
    return %c0_i32, %c0_i32_0 : i32, i32
  }
  func.func @transform_6(%arg0: i32) -> (i32, i32) {
    %c0_i32 = arith.constant 0 : i32
    %c0_i32_0 = arith.constant 0 : i32
    %c0_i32_1 = arith.constant 0 : i32
    return %c0_i32, %c0_i32_0 : i32, i32
  }
  func.func @transform_7(%arg0: i32) -> (i32, i32) {
    %c0_i32 = arith.constant 0 : i32
    %c0_i32_0 = arith.constant 0 : i32
    %c0_i32_1 = arith.constant 0 : i32
    return %c0_i32, %c0_i32_0 : i32, i32
  }
  func.func @transform_8(%arg0: i32) -> (i32, i32) {
    %c0_i32 = arith.constant 0 : i32
    %c0_i32_0 = arith.constant 0 : i32
    %c0_i32_1 = arith.constant 0 : i32
    return %c0_i32, %c0_i32_0 : i32, i32
  }
  func.func @transform_9(%arg0: i32) -> (i32, i32) {
    %c0_i32 = arith.constant 0 : i32
    %c0_i32_0 = arith.constant 0 : i32
    return %arg0, %c0_i32 : i32, i32
  }
  func.func @transform_10(%arg0: i32) -> (i32, i32, i32) {
    %c0_i32 = arith.constant 0 : i32
    %c0_i32_0 = arith.constant 0 : i32
    %c0_i32_1 = arith.constant 0 : i32
    return %arg0, %c0_i32, %c0_i32_0 : i32, i32, i32
  }
}

</mosaic_0001>

<sc_bundles>
// kernel: kernel.5.cloned.1.call-start
scs
__scs_entry_jumppad:
0x0: {  	(pc) =	sbr.rel $0x88, $3  }
0x1: {  	(tag) =	ssettag $0x0;
	lr =	simm.s32 $0x1  }
0x2: {  	[smem:$0x3F92] =	sst lr;
	_ =	strace $0xD0000000  }
0x3: {  	_ = 	snop  }
0x4: {  	_ = 	snop  }
0x5: {  	_ = 	snop  }
0x6: {  	_ = 	snop  }
0x7: {  	_ = 	snop  }
__scs_overlays_trampoline_lowered:
0x8: {  	[smem:$0x3FA1] =	sst s0  }
0x9: {  	[smem:$0x3FA2] =	sst s1  }
0xa: {  	[smem:$0x3FA3] =	sst s2  }
0xb: {  	[smem:$0x3FA4] =	sst s3  }
0xc: {  	[smem:$0x3FA5] =	sst s4  }
0xd: {  	[smem:$0x3FA6] =	sst s5  }
0xe: {  	[smem:$0x3FA7] =	sst s6  }
0xf: {  	[smem:$0x3FA8] =	sst s7  }
0x10: {  	[smem:$0x3FA9] =	sst s8  }
0x11: {  	[smem:$0x3FAA] =	sst s9;
	s0 =	simm.s32 @!p0 $0x0  }
0x12: {  	s1 =	sld [smem:$0x3F90];
	s0 =	simm.s32 @p0 $0x1  }
0x13: {  	[smem:$0x3FAB] =	sst s0;
	s0 =	simm.s32 @!p1 $0x0  }
0x14: {  	s2 =	sld [smem:$0x3F8F];
	s0 =	simm.s32 @p1 $0x1  }
0x15: {  	[smem:$0x3FAC] =	sst s0;
	s0 =	simm.s32 @!p2 $0x0  }
0x16: {  	s3 =	sld [smem:$0x3FDB];
	s0 =	simm.s32 @p2 $0x1  }
0x17: {  	s4 =	simm.s32 $0x1BF5;
	[smem:$0x3FAE] =	sst s0  }
0x18: {  	s0 =	sld [smem:$0x3F91];
	_ =	swait.ge [sflag:s4], $0x0  }
0x19: {  	s7 =	sld [smem:$0x3F92]  }
0x1a: {  	s8 =	sadd.s32 $0xFFFFE003, lr  }
0x1b: {  	s9 =	sadd.s32 $0xFFFFFEF7, lr;
	s5 =	simm.s32 $0xFFFFFFFF;
	p2 =	slt.u32 s8, $0xFFFFF086  }
0x1c: {  	p1 =	slt.u32 s9, $0xF7A;
	s5 =	simm.s32 @!p2 $0x0  }
0x1d: {  	s5 =	simm.s32 @p1 $0x1;
	p0 =	seq.s32 s7, s2  }
0x1e: {  	s7 =	smul.u32 @!p0 $0xF7A, s2;
	p2 =	seq.s32 @!p0 s5, $0x0  }
0x1f: {  	s9 =	smul.u32 $0xF7A, s1;
	s8 =	simm.s32 @!p0 $0x1BF5;
	p2 =	por !p2, p0  }
0x20: {  	[sflag:s8] =	ssyncset.s32 @!p0 $0xFFFFF086;
	s6 =	sadd.s32 @!p0 s3, s7;
	s7 =	simm.s32 @!p0 $0x108  }
0x21: {  	s3 =	sadd.s32 s3, s9;
	s6 =	sadd.s32 @!p0 $0x88, s6;
	s7 =	simm.s32 @p2 $0x1082  }
0x22: {  	[simem:s7], [sflag:s8] =	dma.local @!p0 [hbm:s6], $0xF7A  }
0x23: {  	s9 =	sor.u32 $0xD0000000, s2;
	s6 =	simm.s32 $0x108;
	_ =	swait.ge @!p0 [sflag:s8], $0x0  }
0x24: {  	s3 =	sadd.s32 $0x88, s3;
	s6 =	simm.s32 @!p1 $0x1082;
	[sflag:s4] =	ssyncset.s32 $0xFFFFF086  }
0x25: {  	[simem:s6], [sflag:s4] =	dma.local [hbm:s3], $0xF7A  }
0x26: {  	[smem:$0x3F92] =	sst s1;
	(tag) =	ssettag s2;
	_ =	strace s9  }
0x27: {  	s1 =	sld [smem:$0x3FA2]  }
0x28: {  	s2 =	sld [smem:$0x3FA3]  }
0x29: {  	s4 =	sld [smem:$0x3FA5]  }
0x2a: {  	p0 =	seq.s32 s5, $0x0;
	s5 =	sld [smem:$0x3FA6]  }
0x2b: {  	s6 =	sld [smem:$0x3FA7]  }
0x2c: {  	s7 =	sld [smem:$0x3FA8]  }
0x2d: {  	s3 =	simm.s32 $0x108;
	s8 =	sld [smem:$0x3FA9]  }
0x2e: {  	s3 =	simm.s32 @!p0 $0x1082;
	s9 =	sld [smem:$0x3FAA]  }
0x2f: {  	lr =	sadd.s32 s0, s3;
	s0 =	sld [smem:$0x3FA1]  }
0x30: {  	s3 =	sld [smem:$0x3FA4]  }
0x31: {  	[smem:$0x3FAD] =	sst s10  }
0x32: {  	s10 =	sld [smem:$0x3FAB];
	_ =	sdelay $0x3  }
0x33: {  	p0 =	seq.s32 s10, $0x1;
	s10 =	sld [smem:$0x3FAD];
	_ =	sdelay $0x3  }
0x34: {  	[smem:$0x3FAD] =	sst s10  }
0x35: {  	s10 =	sld [smem:$0x3FAC];
	_ =	sdelay $0x3  }
0x36: {  	p1 =	seq.s32 s10, $0x1;
	s10 =	sld [smem:$0x3FAD];
	_ =	sdelay $0x3  }
0x37: {  	[smem:$0x3FAD] =	sst s10  }
0x38: {  	s10 =	sld [smem:$0x3FAE]  }
0x39: {  	_ = 	snop;
	(pc) =	sbr.ind lr, $3  }
0x3a: {  	_ = 	snop  }
0x3b: {  	_ = 	snop  }
0x3c: {  	p2 =	seq.s32 s10, $0x1;
	s10 =	sld [smem:$0x3FAD]  }
0x3d: {  	_ =	shalt  }
0x3e: {  	_ =	shalt  }
0x3f: {  	_ =	shalt  }
0x40: {  	_ =	shalt  }
0x41: {  	_ =	shalt  }
0x42: {  	_ =	shalt  }
0x43: {  	_ =	shalt  }
0x44: {  	_ =	shalt  }
0x45: {  	_ =	shalt  }
0x46: {  	_ =	shalt  }
0x47: {  	_ =	shalt  }
0x48: {  	_ =	shalt  }
0x49: {  	_ =	shalt  }
0x4a: {  	_ =	shalt  }
0x4b: {  	_ =	shalt  }
0x4c: {  	_ =	shalt  }
0x4d: {  	_ =	shalt  }
0x4e: {  	_ =	shalt  }
0x4f: {  	_ =	shalt  }
0x50: {  	_ =	shalt  }
0x51: {  	_ =	shalt  }
0x52: {  	_ =	shalt  }
0x53: {  	_ =	shalt  }
0x54: {  	_ =	shalt  }
0x55: {  	_ =	shalt  }
0x56: {  	_ =	shalt  }
0x57: {  	_ =	shalt  }
0x58: {  	_ =	shalt  }
0x59: {  	_ =	shalt  }
0x5a: {  	_ =	shalt  }
0x5b: {  	_ =	shalt  }
0x5c: {  	_ =	shalt  }
0x5d: {  	_ =	shalt  }
0x5e: {  	_ =	shalt  }
0x5f: {  	_ =	shalt  }
0x60: {  	_ =	shalt  }
0x61: {  	_ =	shalt  }
0x62: {  	_ =	shalt  }
0x63: {  	_ =	shalt  }
0x64: {  	_ =	shalt  }
0x65: {  	_ =	shalt  }
0x66: {  	_ =	shalt  }
0x67: {  	_ =	shalt  }
0x68: {  	_ =	shalt  }
0x69: {  	_ =	shalt  }
0x6a: {  	_ =	shalt  }
0x6b: {  	_ =	shalt  }
0x6c: {  	_ =	shalt  }
0x6d: {  	_ =	shalt  }
0x6e: {  	_ =	shalt  }
0x6f: {  	_ =	shalt  }
0x70: {  	_ =	shalt  }
0x71: {  	_ =	shalt  }
0x72: {  	_ =	shalt  }
0x73: {  	_ =	shalt  }
0x74: {  	_ =	shalt  }
0x75: {  	_ =	shalt  }
0x76: {  	_ =	shalt  }
0x77: {  	_ =	shalt  }
0x78: {  	_ =	shalt  }
0x79: {  	_ =	shalt  }
0x7a: {  	_ =	shalt  }
0x7b: {  	_ =	shalt  }
0x7c: {  	_ =	shalt  }
0x7d: {  	_ =	shalt  }
0x7e: {  	_ =	shalt  }
0x7f: {  	_ =	shalt  }
0x80: {  	_ =	shalt  }
0x81: {  	_ =	shalt  }
0x82: {  	_ =	shalt  }
0x83: {  	_ =	shalt  }
0x84: {  	_ =	shalt  }
0x85: {  	_ =	shalt  }
0x86: {  	_ =	shalt  }
0x87: {  	_ =	shalt  }
.Lfunc_end0:
.L_simem_size_0:
called_computation_lowered:
.L_overlay_start_0:
0x88: {  	s2 =	sld [smem:$0x3FD9]  }
0x89: {  	s3 =	sld [smem:$0x3FFE];
	_ =	sdelay $0x1  }
0x8a: {  	s1 =	srdreg.scid  }
0x8b: {  	s0 =	sand.u32 $0x1, s1  }
0x8c: {  	s14 =	sshll.u32 s0, $0xA;
	s2 =	sadd.s32 s3, s2  }
0x8d: {  	s2 =	sadd.s32 s2, s14  }
0x8e: {  	[smem:$0x3FB9] =	sst s2  }
0x8f: {  	_ = 	snop  }
0x90: {  	s2 =	sld [smem:$0x3FD0];
	_ =	sdelay $0x2  }
0x91: {  	s15 =	simm.s32 $0xA;
	s4 =	simm.s32 $0x10  }
0x92: {  	[smem:s4], [sflag:s15] =	dma.local [hbm:s2], $0x1  }
0x93: {  	_ =	swait.eq [sflag:s15], $0x1  }
0x94: {  	[sflag:s15] =	ssyncset.done $0x0  }
0x95: {  	[sflag:s15] =	ssyncadd.s32 $0xFFFFFFFF  }
0x96: {  	s16 =	sld [smem:$0x11];
	(tm) =	ssettm $0x1  }
0x97: {  	s17 =	sld [smem:$0x3FFB];
	_ =	sdelay $0x3  }
0x98: {  	_ =	strace s17  }
0x99: {  	s3 =	sld [smem:$0x3FFC];
	_ =	sdelay $0x3  }
0x9a: {  	_ =	strace s3  }
0x9b: {  	s3 =	sld [smem:$0x3FFD];
	_ =	sdelay $0x3  }
0x9c: {  	_ =	strace s3  }
0x9d: {  	_ =	strace $0x8FFFFFFF  }
0x9e: {  	s18 =	sld [smem:$0x3FDB];
	_ =	sdelay $0x1  }
0x9f: {  	s19 =	simm.s32 $_scs_section_size  }
0xa0: {  	s5 =	simm.s32 $_size__tile_overlayer_lowered;
	s6 =	simm.s32 $_tile_overlayer_lowered  }
0xa1: {  	s22 =	simm.s32 $0x1BFF;
	s21 =	sshll.u32 s6, $0x1;
	s3 =	sadd.s32 s19, s18  }
0xa2: {  	s7 =	simm.s32 $0x0;
	s20 =	sshll.u32 s5, $0x1;
	s5 =	sadd.s32 s21, s3  }
0xa3: {  	[timem:s7], [sflag:s22] =	dma.local [hbm:s5], s20  }
0xa4: {  	_ =	swait.ge [sflag:s22], s20  }
0xa5: {  	s4 =	ssub.s32 $0x0, s20;
	[sflag:s22] =	ssyncset.done $0x0  }
0xa6: {  	[sflag:s22] =	ssyncadd.s32 s4;
	_ =	sdelay $0x1  }
0xa7: {  	s23 =	simm.s32 $0x1B8B  }
0xa8: {  	_ =	swait.ge [sflag:s23], $0x1  }
0xa9: {  	[sflag:s23] =	ssyncset.done $0x0  }
0xaa: {  	s25 =	simm.s32 $0x1B8E;
	s24 =	sld [smem:$0x3FFE];
	[sflag:s23] =	ssyncadd.s32 $0xFFFFFFFF  }
0xab: {  	s26 =	simm.s32 $execute0_lowered;
	[smem:$0x3FD2] =	sst s25  }
0xac: {  	s5 =	sshll.u32 s26, $0x1;
	_ =	strace $0x80000046;
	[dreg:$0x1] =	wrdreg $0xFFFFFFFF  }
0xad: {  	s28 =	simm.s32 $_size_execute0_lowered;
	s3 =	sadd.s32 s3, s5;
	[dreg:$0x0] =	wrdreg $0x0  }
0xae: {  	s5 =	sshll.u32 s28, $0x1;
	[dreg:$0x2] =	wrdreg s3  }
0xaf: {  	[dreg:$0x3] =	wrdreg s5  }
0xb0: {  	[dreg:$0x4] =	wrdreg $0xC0  }
0xb1: {  	_ =	task [dreg:s7], $0x5FFFF  }
0xb2: {  	[dreg:$0x1] =	wrdreg $0xFFFFFFFF  }
0xb3: {  	[dreg:$0x0] =	wrdreg $0x60  }
0xb4: {  	[dreg:$0x2] =	wrdreg s24  }
0xb5: {  	[dreg:$0x3] =	wrdreg s16  }
0xb6: {  	[dreg:$0x4] =	wrdreg $0x9  }
0xb7: {  	_ =	task.clear_ibuf [dreg:s7], $0x5FFFF;
	_ =	strace $0x90000046  }
0xb8: {  	s29 =	simm.s32 $0x9;
	_ =	strace $0x80000048  }
0xb9: {  	_ =	swait.ge [sflag:s29], $0x1  }
0xba: {  	[sflag:s29] =	ssyncadd.s32 $0xFFFFFFFF  }
0xbb: {  	_ =	strace $0x90000048  }
0xbc: {  	_ =	sfence  }
0xbd: {  	s30 =	sld [smem:$0x0];
	_ =	sdelay $0x2  }
0xbe: {  	s31 =	sshll.u32 s1, $0xD;
	s1 =	sshrl.u32 s1, $0x2  }
0xbf: {  	s3 =	sand.u32 $0x4000, s31;
	s1 =	sadd.s32 s1, s30  }
0xc0: {  	s0 =	sor.u32 s3, s0;
	s1 =	sshll.u32 s1, $0x11  }
0xc1: {  	s0 =	sor.u32 s1, s0  }
0xc2: {  	s0 =	sadd.s32 $0x8F2B, s0  }
0xc3: {  	[sflag:s0] =	ssyncadd.remote.s32 $0x1  }
0xc4: {  	_ =	sfence.sel $0xFFFF  }
0xc5: {  	[dreg:$0x0] =	wrdreg $0xFFFFFFFF;
	(pc) =	sbr.abs _section_cstart, $3  }
0xc6: {  	[dreg:$0x1] =	wrdreg $0xFFFFFFFF  }
0xc7: {  	_ =	task.clear_ibuf [dreg:s7], $0x2FFFF;
	_ =	strace $0x9FFFFFFF  }
0xc8: {  	(tm) =	ssettm $0x7FFFFFFF  }
0xc9: {  	_ =	shalt  }
tec
execute0_lowered:
.L_overlay_start_1:
0x0: {  	(tag) =	ssettag $0x1  }
0x1: {  	s1 =	srdreg.scid  }
0x2: {  	s17 =	rddreg [dreg:$0x0];
	s0 =	stileid.u32;
	s19 =	sand.u32 $0x1, s1  }
0x3: {  	s9 =	rddreg [dreg:$0x1];
	s3 =	sshll.u32 s0, $0xA;
	s4 =	sshll.u32 s19, $0x9  }
0x4: {  	s2 =	simm.s32 $0x0;
	s1 =	rddreg [dreg:$0x2];
	s18 =	sor.u32 s4, s3  }
0x5: {  	[smem:$0x7FF] =	sst s2;
	s3 =	sshrl.u32 s18, $0x3  }
0x6: {  	_ =	strace $0x80000047;
	s4 =	sadd.s32 s9, s3;
	s3 =	simm.s32 $0x2  }
0x7: {  	[tilespmem:s2], [sflag:$0x2] =	stream.linear.gather [hbm4b:s4+s2], $0x80, $0x38;
	[tilespmem:$0x8200] =	vst v63  }
0x8: {  	s20 =	sor.u32 $0x80, s18;
	_ =	swait.ge [sflag:s3], $0x80  }
0x9: {  	s5 =	sshrl.u32 s20, $0x3;
	[sflag:s3] =	ssyncset.done $0x0  }
0xa: {  	s6 =	simm.s32 $0x80;
	s5 =	sadd.s32 s9, s5;
	[sflag:s3] =	ssyncadd.s32 $0xFFFFFF80  }
0xb: {  	[tilespmem:s6], [sflag:$0x2] =	stream.linear.gather [hbm4b:s5+s2], $0x80, $0x38;
	[tilespmem:$0x8200] =	vst v63  }
0xc: {  	s21 =	sor.u32 $0x100, s18;
	_ =	swait.ge [sflag:s3], $0x80  }
0xd: {  	s7 =	sshrl.u32 s21, $0x3;
	[sflag:s3] =	ssyncset.done $0x0  }
0xe: {  	s8 =	simm.s32 $0x100;
	s7 =	sadd.s32 s9, s7;
	[sflag:s3] =	ssyncadd.s32 $0xFFFFFF80  }
0xf: {  	[tilespmem:s8], [sflag:$0x2] =	stream.linear.gather [hbm4b:s7+s2], $0x80, $0x38;
	[tilespmem:$0x8200] =	vst v63  }
0x10: {  	s22 =	sor.u32 $0x180, s18;
	_ =	swait.ge [sflag:s3], $0x80  }
0x11: {  	s10 =	sshrl.u32 s22, $0x3;
	[sflag:s3] =	ssyncset.done $0x0  }
0x12: {  	s9 =	sadd.s32 s9, s10;
	s10 =	simm.s32 $0x180;
	[sflag:s3] =	ssyncadd.s32 $0xFFFFFF80  }
0x13: {  	[tilespmem:s10], [sflag:$0x2] =	stream.linear.gather [hbm4b:s9+s2], $0x80, $0x38;
	[tilespmem:$0x8200] =	vst v63  }
0x14: {  	_ =	swait.ge [sflag:s3], $0x80  }
0x15: {  	[sflag:s3] =	ssyncset.done $0x0  }
0x16: {  	s12 =	simm.s32 $0x200;
	s11 =	sadd.s32 $0x1200, s17;
	[sflag:s3] =	ssyncadd.s32 $0xFFFFFF80  }
0x17: {  	[tilespmem:s12], [sflag:$0x1] =	stream.indirect.gather [hbm4b:s11+s6], $0x40, s2, s6, $0xb8;
	[tilespmem:$0x8200] =	vst v63  }
0x18: {  	s13 =	simm.s32 $0x2200  }
0x19: {  	[tilespmem:s13], [sflag:$0x1] =	stream.indirect.gather [hbm4b:s11+s6], $0x40, s6, s6, $0xb8;
	[tilespmem:$0x8200] =	vst v63  }
0x1a: {  	s14 =	simm.s32 $0x4200  }
0x1b: {  	[tilespmem:s14], [sflag:$0x1] =	stream.indirect.gather [hbm4b:s11+s6], $0x40, s8, s6, $0xb8;
	[tilespmem:$0x8200] =	vst v63  }
0x1c: {  	s15 =	simm.s32 $0x6200;
	s16 =	simm.s32 $0x1  }
0x1d: {  	[tilespmem:s15], [sflag:$0x1] =	stream.indirect.gather [hbm4b:s11+s6], $0x40, s10, s6, $0xb8;
	[tilespmem:$0x8200] =	vst v63  }
0x1e: {  	_ =	swait.ge [sflag:s16], $0x2000  }
0x1f: {  	[sflag:s16] =	ssyncset.done $0x0  }
0x20: {  	[sflag:s16] =	ssyncadd.s32 $0xFFFFE000  }
0x21: {  	_ =	swait.ge [sflag:s16], $0x2000  }
0x22: {  	[sflag:s16] =	ssyncset.done $0x0  }
0x23: {  	[sflag:s16] =	ssyncadd.s32 $0xFFFFE000  }
0x24: {  	_ =	swait.ge [sflag:s16], $0x2000  }
0x25: {  	[sflag:s16] =	ssyncset.done $0x0  }
0x26: {  	[sflag:s16] =	ssyncadd.s32 $0xFFFFE000  }
0x27: {  	_ =	swait.ge [sflag:s16], $0x2000  }
0x28: {  	s23 =	sadd.s32 $0x2200, s17;
	s25 =	sshll.u32 s18, $0x3;
	[sflag:s16] =	ssyncset.done $0x0  }
0x29: {  	s17 =	sadd.s32 s23, s25;
	[sflag:s16] =	ssyncadd.s32 $0xFFFFE000  }
0x2a: {  	[hbm4b:s17+s2] =	stream.linear.scatter [tilespmem:s12], [sflag:$0x2], $0x2000, $0x38;
	[tilespmem:$0x8200] =	vst v63  }
0x2b: {  	_ =	swait.ge [sflag:s3], $0x2000  }
0x2c: {  	s26 =	sshll.u32 s20, $0x3;
	[sflag:s3] =	ssyncset.done $0x0  }
0x2d: {  	s29 =	ssub.s32 $0x2, s19;
	s18 =	sadd.s32 s23, s26;
	[sflag:s3] =	ssyncadd.s32 $0xFFFFE000  }
0x2e: {  	[hbm4b:s18+s2] =	stream.linear.scatter [tilespmem:s13], [sflag:$0x2], $0x2000, $0x38;
	[tilespmem:$0x8200] =	vst v63  }
0x2f: {  	s30 =	sshrl.u32 s29, $0x1;
	_ =	swait.ge [sflag:s3], $0x2000  }
0x30: {  	s28 =	sshll.u32 s21, $0x3;
	s21 =	ssub.s32 s29, s30;
	[sflag:s3] =	ssyncset.done $0x0  }
0x31: {  	s19 =	sadd.s32 s23, s28;
	s21 =	smax.u32 s21, $0x1;
	[sflag:s3] =	ssyncadd.s32 $0xFFFFE000  }
0x32: {  	[hbm4b:s19+s2] =	stream.linear.scatter [tilespmem:s14], [sflag:$0x2], $0x2000, $0x38;
	[tilespmem:$0x8200] =	vst v63  }
0x33: {  	p0 =	sne.s32 s21, $0x1;
	_ =	swait.ge [sflag:s3], $0x2000  }
.Ltmp0:
0x34: {  	s31 =	sshll.u32 s22, $0x3;
	[sflag:s3] =	ssyncset.done $0x0;
	(pc) =	sbr.rel @!p0 .LBB2_2-.Ltmp0, $4  }
0x35: {  	s20 =	sadd.s32 s23, s31;
	[sflag:s3] =	ssyncadd.s32 $0xFFFFE000  }
0x36: {  	[hbm4b:s20+s2] =	stream.linear.scatter [tilespmem:s15], [sflag:$0x2], $0x2000, $0x38;
	[tilespmem:$0x8200] =	vst v63  }
0x37: {  	_ =	swait.ge [sflag:s3], $0x2000  }
0x38: {  	s21 =	sadd.s32 $0xFFFFFFFF, s21;
	[sflag:s3] =	ssyncset.done $0x0  }
.LBB2_1:
0x39: {  	p0 =	sne.s32 s21, $0x1;
	s21 =	sadd.s32 $0xFFFFFFFF, s21;
	[sflag:s3] =	ssyncadd.s32 $0xFFFFE000  }
0x3a: {  	[tilespmem:s2], [sflag:$0x2] =	stream.linear.gather [hbm4b:s4+s2], $0x80, $0x38;
	[tilespmem:$0x8200] =	vst v63  }
0x3b: {  	_ =	swait.ge [sflag:s3], $0x80  }
0x3c: {  	[sflag:s3] =	ssyncset.done $0x0  }
0x3d: {  	[sflag:s3] =	ssyncadd.s32 $0xFFFFFF80  }
0x3e: {  	[tilespmem:s6], [sflag:$0x2] =	stream.linear.gather [hbm4b:s5+s2], $0x80, $0x38;
	[tilespmem:$0x8200] =	vst v63  }
0x3f: {  	_ =	swait.ge [sflag:s3], $0x80  }
0x40: {  	[sflag:s3] =	ssyncset.done $0x0  }
0x41: {  	[sflag:s3] =	ssyncadd.s32 $0xFFFFFF80  }
0x42: {  	[tilespmem:s8], [sflag:$0x2] =	stream.linear.gather [hbm4b:s7+s2], $0x80, $0x38;
	[tilespmem:$0x8200] =	vst v63  }
0x43: {  	_ =	swait.ge [sflag:s3], $0x80  }
0x44: {  	[sflag:s3] =	ssyncset.done $0x0  }
0x45: {  	[sflag:s3] =	ssyncadd.s32 $0xFFFFFF80  }
0x46: {  	[tilespmem:s10], [sflag:$0x2] =	stream.linear.gather [hbm4b:s9+s2], $0x80, $0x38;
	[tilespmem:$0x8200] =	vst v63  }
0x47: {  	_ =	swait.ge [sflag:s3], $0x80  }
0x48: {  	[sflag:s3] =	ssyncset.done $0x0  }
0x49: {  	[sflag:s3] =	ssyncadd.s32 $0xFFFFFF80  }
0x4a: {  	[tilespmem:s12], [sflag:$0x1] =	stream.indirect.gather [hbm4b:s11+s6], $0x40, s2, s6, $0xb8;
	[tilespmem:$0x8200] =	vst v63  }
0x4b: {  	_ = 	snop  }
0x4c: {  	[tilespmem:s13], [sflag:$0x1] =	stream.indirect.gather [hbm4b:s11+s6], $0x40, s6, s6, $0xb8;
	[tilespmem:$0x8200] =	vst v63  }
0x4d: {  	_ = 	snop  }
0x4e: {  	[tilespmem:s14], [sflag:$0x1] =	stream.indirect.gather [hbm4b:s11+s6], $0x40, s8, s6, $0xb8;
	[tilespmem:$0x8200] =	vst v63  }
0x4f: {  	_ = 	snop  }
0x50: {  	[tilespmem:s15], [sflag:$0x1] =	stream.indirect.gather [hbm4b:s11+s6], $0x40, s10, s6, $0xb8;
	[tilespmem:$0x8200] =	vst v63  }
0x51: {  	_ =	swait.ge [sflag:s16], $0x2000  }
0x52: {  	[sflag:s16] =	ssyncset.done $0x0  }
0x53: {  	[sflag:s16] =	ssyncadd.s32 $0xFFFFE000  }
0x54: {  	_ =	swait.ge [sflag:s16], $0x2000  }
0x55: {  	[sflag:s16] =	ssyncset.done $0x0  }
0x56: {  	[sflag:s16] =	ssyncadd.s32 $0xFFFFE000  }
0x57: {  	_ =	swait.ge [sflag:s16], $0x2000  }
0x58: {  	[sflag:s16] =	ssyncset.done $0x0  }
0x59: {  	[sflag:s16] =	ssyncadd.s32 $0xFFFFE000  }
0x5a: {  	_ =	swait.ge [sflag:s16], $0x2000  }
0x5b: {  	[sflag:s16] =	ssyncset.done $0x0  }
0x5c: {  	[sflag:s16] =	ssyncadd.s32 $0xFFFFE000  }
0x5d: {  	[hbm4b:s17+s2] =	stream.linear.scatter [tilespmem:s12], [sflag:$0x2], $0x2000, $0x38;
	[tilespmem:$0x8200] =	vst v63  }
0x5e: {  	_ =	swait.ge [sflag:s3], $0x2000  }
0x5f: {  	[sflag:s3] =	ssyncset.done $0x0  }
0x60: {  	[sflag:s3] =	ssyncadd.s32 $0xFFFFE000  }
0x61: {  	[hbm4b:s18+s2] =	stream.linear.scatter [tilespmem:s13], [sflag:$0x2], $0x2000, $0x38;
	[tilespmem:$0x8200] =	vst v63  }
0x62: {  	_ =	swait.ge [sflag:s3], $0x2000  }
0x63: {  	[sflag:s3] =	ssyncset.done $0x0  }
0x64: {  	[sflag:s3] =	ssyncadd.s32 $0xFFFFE000  }
0x65: {  	[hbm4b:s19+s2] =	stream.linear.scatter [tilespmem:s14], [sflag:$0x2], $0x2000, $0x38;
	[tilespmem:$0x8200] =	vst v63  }
0x66: {  	_ =	swait.ge [sflag:s3], $0x2000  }
.Ltmp1:
0x67: {  	[sflag:s3] =	ssyncset.done $0x0;
	(pc) =	sbr.rel @p0 .LBB2_1-.Ltmp1, $4  }
0x68: {  	[sflag:s3] =	ssyncadd.s32 $0xFFFFE000  }
0x69: {  	[hbm4b:s20+s2] =	stream.linear.scatter [tilespmem:s15], [sflag:$0x2], $0x2000, $0x38;
	[tilespmem:$0x8200] =	vst v63  }
0x6a: {  	_ =	swait.ge [sflag:s3], $0x2000  }
0x6b: {  	[sflag:s3] =	ssyncset.done $0x0  }
.LBB2_2:
0x6c: {  	[sflag:s3] =	ssyncadd.s32 $0xFFFFE000  }
0x6d: {  	_ =	sfence.sel $0x180000  }
0x6e: {  	[bflag:$0x0] =	sbarrier.arrive $0xFFFF  }
0x6f: {  	p0 =	sne.s32 s0, $0x0;
	_ =	strace $0x90000047  }
0x70: {  	s0 =	sadd.s32 @!p0 $0x100000, s1;
	[bflag:$0x2] =	sbarrier.arrive $0xFFFF  }
0x71: {  	[sflag:s0] =	ssyncadd.tile.s32 @!p0 $0x1;
	_ =	shalt  }
.Lfunc_end2:
_tile_overlayer_lowered:
.L_overlay_start_2:
0x72: {  	(tag) =	ssettag $0x2  }
0x73: {  	s0 =	rddreg [dreg:$0x0];
	s2 =	stileid.u32  }
0x74: {  	s1 =	rddreg [dreg:$0x1];
	p0 =	sne.s32 s2, $0x0  }
0x75: {  	s3 =	rddreg [dreg:$0x2];
	[bflag:$0x3] =	sbarrier.arrive $0xFFFF;
	s2 =	simm.s32 @!p0 $0x1C02  }
0x76: {  	[timem:s3], [sflag:s2] =	dma.local @!p0 [hbm:s0], s1  }
0x77: {  	s0 =	simm.s32 @!p0 $0x2  }
0x78: {  	_ =	swait.ge @!p0 [sflag:s0], s1  }
0x79: {  	s1 =	ssub.s32 @!p0 $0x0, s1;
	[sflag:s0] =	ssyncset.done @!p0 $0x0  }
0x7a: {  	[sflag:s0] =	ssyncadd.s32 @!p0 s1  }
0x7b: {  	[bflag:$0x3] =	sbarrier.arrive $0xFFFF  }
0x7c: {  	_ =	shalt  }

</sc_bundles>
